<compile_context>
chip_gen: v7x
topology: tpu7x:2x2x1
jax: 0.10.2.dev20260603
libtpu: 0.0.44.dev20260713+nightly
codegen_flags: <defaults>
</compile_context>

<pallas_src>
import functools

import jax
import jax.numpy as jnp
from jax import lax
from jax.experimental import pallas as pl
from jax.experimental.pallas import tpu as pltpu
from jax.experimental.pallas import tpu_sc as plsc


def kernel(input, indices):
    B, C, H, W = input.shape
    P = B * C
    Hout, Wout = 2 * H, 2 * W

    info = plsc.get_sparse_core_info()
    NC, NS = info.num_cores, info.num_subcores
    NW = NC * NS

    planes_per_w = P // NW
    RH = 48
    S = H // RH
    NSTRIPS = planes_per_w * S

    in3 = input.reshape(P, H, W)
    idx3 = indices.reshape(P, H, W)

    mesh = plsc.VectorSubcoreMesh(core_axis_name="c", subcore_axis_name="s")

    @functools.partial(
        pl.kernel,
        mesh=mesh,
        out_type=jax.ShapeDtypeStruct((P, Hout, Wout), jnp.float32),
        scratch_types=[
            pltpu.VMEM((RH, W), jnp.float32),
            pltpu.VMEM((RH, W), jnp.float32),
            pltpu.VMEM((RH, W), jnp.int32),
            pltpu.VMEM((RH, W), jnp.int32),
            pltpu.VMEM((2 * RH, Wout), jnp.float32),
            pltpu.VMEM((2 * RH, Wout), jnp.float32),
            pltpu.SemaphoreType.DMA,
            pltpu.SemaphoreType.DMA,
            pltpu.SemaphoreType.DMA,
            pltpu.SemaphoreType.DMA,
            pltpu.SemaphoreType.DMA,
            pltpu.SemaphoreType.DMA,
        ],
        compiler_params=pltpu.CompilerParams(needs_layout_passes=False),
    )
    def unpool(in_hbm, idx_hbm, out_hbm, in_v0, in_v1, idx_v0, idx_v1,
               out_v0, out_v1, si0, si1, sx0, sx1, so0, so1):
        wid = lax.axis_index("s") * NC + lax.axis_index("c")
        base = wid * NSTRIPS
        in_b = (in_v0, in_v1)
        idx_b = (idx_v0, idx_v1)
        out_b = (out_v0, out_v1)
        sin = (si0, si1)
        sidx = (sx0, sx1)
        sout = (so0, so1)
        zeros16 = jnp.zeros((16,), jnp.float32)
        lane2 = 2 * lax.iota(jnp.int32, 16)

        def coords(ke):
            g = base + ke
            return g // S, g % S

        def in_copy(ke, b):
            p, s = coords(ke)
            return pltpu.make_async_copy(
                in_hbm.at[p, pl.ds(s * RH, RH)], in_b[b], sin[b])

        def idx_copy(ke, b):
            p, s = coords(ke)
            return pltpu.make_async_copy(
                idx_hbm.at[p, pl.ds(s * RH, RH)], idx_b[b], sidx[b])

        def out_copy(ke, b):
            p, s = coords(ke)
            return pltpu.make_async_copy(
                out_b[b], out_hbm.at[p, pl.ds(s * 2 * RH, 2 * RH)], sout[b])

        in_copy(0, 0).start()
        idx_copy(0, 0).start()
        in_copy(1, 1).start()
        idx_copy(1, 1).start()

        def pair_body(kk, _):
            k = kk * 2
            for b in range(2):
                ke = k + b
                in_copy(ke, b).wait()
                idx_copy(ke, b).wait()

                @pl.when(ke >= 2)
                def _():
                    out_copy(ke - 2, b).wait()

                @plsc.parallel_loop(0, 2 * RH, unroll=4)
                def zero_body(rr):
                    @plsc.parallel_loop(0, Wout, step=16, unroll=8)
                    def _(cc):
                        out_b[b][rr, pl.ds(cc, 16)] = zeros16

                _, s = coords(ke)
                h0 = s * RH

                @plsc.parallel_loop(0, RH, unroll=1)
                def scat_row(r):
                    rowbase = 2 * (h0 + r) * Wout

                    @plsc.parallel_loop(0, W, step=16, unroll=6)
                    def _(c):
                        vals = in_b[b][r, pl.ds(c, 16)]
                        idxv = idx_b[b][r, pl.ds(c, 16)]
                        cb = 2 * c + lane2
                        rel = idxv - (rowbase + cb)
                        dh = (rel >> 7) & 1
                        dw = rel & 1
                        rows = 2 * r + dh
                        cols = cb + dw
                        plsc.store_scatter(out_b[b], [rows, cols], vals)

                out_copy(ke, b).start()

                @pl.when(ke + 2 < NSTRIPS)
                def _():
                    in_copy(ke + 2, b).start()
                    idx_copy(ke + 2, b).start()
            return 0

        lax.fori_loop(0, NSTRIPS // 2, pair_body, 0)
        out_copy(NSTRIPS - 2, 0).wait()
        out_copy(NSTRIPS - 1, 1).wait()

    out = unpool(in3, idx3)
    return out.reshape(B, C, Hout, Wout)

# --- scband reference (transcript-rebuilt; emitter-appended) ---
"""Pipeline reference for scband-my-model-11879879542467 (READ-ONLY COPY).

The authoritative reference and input builder live on the scoring server;
editing this copy changes nothing except your own understanding.
"""

import jax, jax.numpy as jnp
import numpy as np


def setup_inputs(seed: int = 0) -> dict:
    key = jax.random.key(seed)
    k1, k2, k3 = jax.random.split(key, 3)
    B, C, H, W = 4, 96, 192, 192
    inp = jax.random.normal(k1, (B, C, H, W), dtype=jnp.float32)
    # Build indices the way max_pool2d(kernel=2, stride=2, return_indices=True) would:
    # each pooled cell (h, w) points at one element of its 2x2 window in the
    # unpooled (2H, 2W) plane, flattened per (b, c) slice. This guarantees
    # in-range, collision-free indices, matching real max-unpool semantics.
    dh = jax.random.randint(k2, (B, C, H, W), 0, 2)
    dw = jax.random.randint(k3, (B, C, H, W), 0, 2)
    hh = jnp.arange(H).reshape(1, 1, H, 1)
    ww = jnp.arange(W).reshape(1, 1, 1, W)
    Wout = 2 * W
    indices = (2 * hh + dh) * Wout + (2 * ww + dw)
    return {"input": inp, "indices": indices.astype(jnp.int32)}


def reference(input, indices):
    # F.max_unpool2d(input, indices, kernel_size=2, stride=2):
    # scatter input values into a zero-initialized (B, C, 2H, 2W) tensor at the
    # per-(b, c)-plane flat spatial positions given by `indices`.
    B, C, H, W = input.shape
    Hout, Wout = 2 * H, 2 * W
    flat_in = input.reshape(B * C, H * W)
    flat_idx = indices.reshape(B * C, H * W)
    rows = jnp.arange(B * C).reshape(-1, 1)
    out = jnp.zeros((B * C, Hout * Wout), dtype=input.dtype)
    out = out.at[rows, flat_idx].set(flat_in)
    return out.reshape(B, C, Hout, Wout)

if __name__ == "__main__":
    import jax
    _d = setup_inputs()
    print(jax.jit(kernel)(*tuple(_d.values())))

</pallas_src>

<mosaic_0001>
#map = affine_map<(d0, d1) -> (0, 0, 0)>
module attributes {stable_mosaic.version = 14 : i64} {
  func.func @unpool(%arg0: i32, %arg1: i32, %arg2: memref<384x192x192xf32, #tpu.memory_space<hbm>>, %arg3: memref<384x192x192xi32, #tpu.memory_space<hbm>>, %arg4: memref<384x384x384xf32, #tpu.memory_space<hbm>>, %arg5: memref<48x192xf32, #tpu.memory_space<vmem>>, %arg6: memref<48x192xf32, #tpu.memory_space<vmem>>, %arg7: memref<48x192xi32, #tpu.memory_space<vmem>>, %arg8: memref<48x192xi32, #tpu.memory_space<vmem>>, %arg9: memref<96x384xf32, #tpu.memory_space<vmem>>, %arg10: memref<96x384xf32, #tpu.memory_space<vmem>>, %arg11: memref<!tpu.dma_semaphore, #tpu.memory_space<semaphore_mem>>, %arg12: memref<!tpu.dma_semaphore, #tpu.memory_space<semaphore_mem>>, %arg13: memref<!tpu.dma_semaphore, #tpu.memory_space<semaphore_mem>>, %arg14: memref<!tpu.dma_semaphore, #tpu.memory_space<semaphore_mem>>, %arg15: memref<!tpu.dma_semaphore, #tpu.memory_space<semaphore_mem>>, %arg16: memref<!tpu.dma_semaphore, #tpu.memory_space<semaphore_mem>>) attributes {dimension_semantics = [#tpu.dimension_semantics<core_parallel>, #tpu.dimension_semantics<subcore_parallel>], iteration_bounds = array<i64: 2, 16>, scalar_prefetch = 0 : i64, scratch_operands = 12 : i64, tpu.core_type = #tpu.core_type<sc_vector_subcore>, window_params = [{transform_indices = #map}, {transform_indices = #map}, {transform_indices = #map}]} {
    %mul3A = arith.constant 2 : i32
    %mul3A_0 = arith.muli %arg1, %mul3A : i32
    %add3A = arith.addi %mul3A_0, %arg0 : i32
    %mul3A_1 = arith.constant 48 : i32
    %mul3A_2 = arith.muli %add3A, %mul3A_1 : i32
    %broadcast_in_dim3A = arith.constant 0.000000e+00 : f32
    %broadcast_in_dim3A_3 = vector.broadcast %broadcast_in_dim3A : f32 to vector<16xf32>
    %iota3A = tpu.iota {dimensions = array<i32: 0>} : vector<16xi32>
    %mul3A_4 = arith.constant 2 : i32
    %mul3A_5 = vector.broadcast %mul3A_4 : i32 to vector<16xi32>
    %mul3A_6 = arith.muli %mul3A_5, %iota3A : vector<16xi32>
    %add3A_7 = arith.constant 0 : i32
    %add3A_8 = arith.addi %mul3A_2, %add3A_7 : i32
    %jit3A = arith.constant 4 : i32
    %div3A = arith.divsi %add3A_8, %jit3A : i32
    %sign3A = arith.constant 0 : i32
    %sign3A_9 = arith.cmpi sgt, %add3A_8, %sign3A : i32
    %sign3A_10 = arith.extui %sign3A_9 : i1 to i32
    %sign3A_11 = arith.constant 0 : i32
    %sign3A_12 = arith.cmpi slt, %add3A_8, %sign3A_11 : i32
    %sign3A_13 = arith.extui %sign3A_12 : i1 to i32
    %sign3A_14 = arith.subi %sign3A_10, %sign3A_13 : i32
    %sign3A_15 = arith.constant 0 : i32
    %sign3A_16 = arith.cmpi sgt, %jit3A, %sign3A_15 : i32
    %sign3A_17 = arith.extui %sign3A_16 : i1 to i32
    %sign3A_18 = arith.constant 0 : i32
    %sign3A_19 = arith.cmpi slt, %jit3A, %sign3A_18 : i32
    %sign3A_20 = arith.extui %sign3A_19 : i1 to i32
    %sign3A_21 = arith.subi %sign3A_17, %sign3A_20 : i32
    %ne3A = arith.cmpi ne, %sign3A_14, %sign3A_21 : i32
    %rem3A = arith.remsi %add3A_8, %jit3A : i32
    %ne3A_22 = arith.constant 0 : i32
    %ne3A_23 = arith.cmpi ne, %rem3A, %ne3A_22 : i32
    %and3A = arith.andi %ne3A, %ne3A_23 : i1
    %sub3A = arith.constant 1 : i32
    %sub3A_24 = arith.subi %div3A, %sub3A : i32
    %select_n3A = arith.select %and3A, %sub3A_24, %div3A : i32
    %jit3A_25 = arith.constant 4 : i32
    %eq3A = arith.constant 0 : i32
    %eq3A_26 = arith.cmpi eq, %jit3A_25, %eq3A : i32
    %jit3A_27 = arith.constant 1 : i32
    %select_n3A_28 = arith.select %eq3A_26, %jit3A_27, %jit3A_25 : i32
    %rem3A_29 = arith.remsi %add3A_8, %select_n3A_28 : i32
    %ne3A_30 = arith.constant 0 : i32
    %ne3A_31 = arith.cmpi ne, %rem3A_29, %ne3A_30 : i32
    %lt3A = arith.constant 0 : i32
    %lt3A_32 = arith.cmpi slt, %rem3A_29, %lt3A : i32
    %lt3A_33 = arith.constant 0 : i32
    %lt3A_34 = arith.cmpi slt, %select_n3A_28, %lt3A_33 : i32
    %ne3A_35 = arith.xori %lt3A_32, %lt3A_34 : i1
    %and3A_36 = arith.andi %ne3A_35, %ne3A_31 : i1
    %add3A_37 = arith.addi %rem3A_29, %select_n3A_28 : i32
    %select_n3A_38 = arith.select %and3A_36, %add3A_37, %rem3A_29 : i32
    %mul3A_39 = arith.constant 48 : i32
    %mul3A_40 = arith.muli %select_n3A_38, %mul3A_39 : i32
    %dma_start3A = arith.constant 0 : i32
    %dma_start3A_41 = tpu.memref_slice %arg2[%select_n3A, %mul3A_40, %dma_start3A] : memref<384x192x192xf32, #tpu.memory_space<hbm>> -> memref<1x48x192xf32, #tpu.memory_space<hbm>>
    %dma_start3A_42 = tpu.memref_squeeze %dma_start3A_41 : memref<1x48x192xf32, #tpu.memory_space<hbm>> -> memref<48x192xf32, #tpu.memory_space<hbm>>
    %dma_start3A_43 = arith.constant 0 : i32
    %dma_start3A_44 = tpu.memref_slice %arg2[%select_n3A, %mul3A_40, %dma_start3A_43] : memref<384x192x192xf32, #tpu.memory_space<hbm>> -> memref<1x48x192xf32, #tpu.memory_space<hbm>>
    %dma_start3A_45 = tpu.memref_squeeze %dma_start3A_44 : memref<1x48x192xf32, #tpu.memory_space<hbm>> -> memref<48x192xf32, #tpu.memory_space<hbm>>
    tpu.enqueue_dma source(%dma_start3A_45 : memref<48x192xf32, #tpu.memory_space<hbm>>) target(%arg5 : memref<48x192xf32, #tpu.memory_space<vmem>>) target_semaphore(%arg11 : memref<!tpu.dma_semaphore, #tpu.memory_space<semaphore_mem>>)
    %add3A_46 = arith.constant 0 : i32
    %add3A_47 = arith.addi %mul3A_2, %add3A_46 : i32
    %jit3A_48 = arith.constant 4 : i32
    %div3A_49 = arith.divsi %add3A_47, %jit3A_48 : i32
    %sign3A_50 = arith.constant 0 : i32
    %sign3A_51 = arith.cmpi sgt, %add3A_47, %sign3A_50 : i32
    %sign3A_52 = arith.extui %sign3A_51 : i1 to i32
    %sign3A_53 = arith.constant 0 : i32
    %sign3A_54 = arith.cmpi slt, %add3A_47, %sign3A_53 : i32
    %sign3A_55 = arith.extui %sign3A_54 : i1 to i32
    %sign3A_56 = arith.subi %sign3A_52, %sign3A_55 : i32
    %sign3A_57 = arith.constant 0 : i32
    %sign3A_58 = arith.cmpi sgt, %jit3A_48, %sign3A_57 : i32
    %sign3A_59 = arith.extui %sign3A_58 : i1 to i32
    %sign3A_60 = arith.constant 0 : i32
    %sign3A_61 = arith.cmpi slt, %jit3A_48, %sign3A_60 : i32
    %sign3A_62 = arith.extui %sign3A_61 : i1 to i32
    %sign3A_63 = arith.subi %sign3A_59, %sign3A_62 : i32
    %ne3A_64 = arith.cmpi ne, %sign3A_56, %sign3A_63 : i32
    %rem3A_65 = arith.remsi %add3A_47, %jit3A_48 : i32
    %ne3A_66 = arith.constant 0 : i32
    %ne3A_67 = arith.cmpi ne, %rem3A_65, %ne3A_66 : i32
    %and3A_68 = arith.andi %ne3A_64, %ne3A_67 : i1
    %sub3A_69 = arith.constant 1 : i32
    %sub3A_70 = arith.subi %div3A_49, %sub3A_69 : i32
    %select_n3A_71 = arith.select %and3A_68, %sub3A_70, %div3A_49 : i32
    %jit3A_72 = arith.constant 4 : i32
    %eq3A_73 = arith.constant 0 : i32
    %eq3A_74 = arith.cmpi eq, %jit3A_72, %eq3A_73 : i32
    %jit3A_75 = arith.constant 1 : i32
    %select_n3A_76 = arith.select %eq3A_74, %jit3A_75, %jit3A_72 : i32
    %rem3A_77 = arith.remsi %add3A_47, %select_n3A_76 : i32
    %ne3A_78 = arith.constant 0 : i32
    %ne3A_79 = arith.cmpi ne, %rem3A_77, %ne3A_78 : i32
    %lt3A_80 = arith.constant 0 : i32
    %lt3A_81 = arith.cmpi slt, %rem3A_77, %lt3A_80 : i32
    %lt3A_82 = arith.constant 0 : i32
    %lt3A_83 = arith.cmpi slt, %select_n3A_76, %lt3A_82 : i32
    %ne3A_84 = arith.xori %lt3A_81, %lt3A_83 : i1
    %and3A_85 = arith.andi %ne3A_84, %ne3A_79 : i1
    %add3A_86 = arith.addi %rem3A_77, %select_n3A_76 : i32
    %select_n3A_87 = arith.select %and3A_85, %add3A_86, %rem3A_77 : i32
    %mul3A_88 = arith.constant 48 : i32
    %mul3A_89 = arith.muli %select_n3A_87, %mul3A_88 : i32
    %dma_start3A_90 = arith.constant 0 : i32
    %dma_start3A_91 = tpu.memref_slice %arg3[%select_n3A_71, %mul3A_89, %dma_start3A_90] : memref<384x192x192xi32, #tpu.memory_space<hbm>> -> memref<1x48x192xi32, #tpu.memory_space<hbm>>
    %dma_start3A_92 = tpu.memref_squeeze %dma_start3A_91 : memref<1x48x192xi32, #tpu.memory_space<hbm>> -> memref<48x192xi32, #tpu.memory_space<hbm>>
    %dma_start3A_93 = arith.constant 0 : i32
    %dma_start3A_94 = tpu.memref_slice %arg3[%select_n3A_71, %mul3A_89, %dma_start3A_93] : memref<384x192x192xi32, #tpu.memory_space<hbm>> -> memref<1x48x192xi32, #tpu.memory_space<hbm>>
    %dma_start3A_95 = tpu.memref_squeeze %dma_start3A_94 : memref<1x48x192xi32, #tpu.memory_space<hbm>> -> memref<48x192xi32, #tpu.memory_space<hbm>>
    tpu.enqueue_dma source(%dma_start3A_95 : memref<48x192xi32, #tpu.memory_space<hbm>>) target(%arg7 : memref<48x192xi32, #tpu.memory_space<vmem>>) target_semaphore(%arg13 : memref<!tpu.dma_semaphore, #tpu.memory_space<semaphore_mem>>)
    %add3A_96 = arith.constant 1 : i32
    %add3A_97 = arith.addi %mul3A_2, %add3A_96 : i32
    %jit3A_98 = arith.constant 4 : i32
    %div3A_99 = arith.divsi %add3A_97, %jit3A_98 : i32
    %sign3A_100 = arith.constant 0 : i32
    %sign3A_101 = arith.cmpi sgt, %add3A_97, %sign3A_100 : i32
    %sign3A_102 = arith.extui %sign3A_101 : i1 to i32
    %sign3A_103 = arith.constant 0 : i32
    %sign3A_104 = arith.cmpi slt, %add3A_97, %sign3A_103 : i32
    %sign3A_105 = arith.extui %sign3A_104 : i1 to i32
    %sign3A_106 = arith.subi %sign3A_102, %sign3A_105 : i32
    %sign3A_107 = arith.constant 0 : i32
    %sign3A_108 = arith.cmpi sgt, %jit3A_98, %sign3A_107 : i32
    %sign3A_109 = arith.extui %sign3A_108 : i1 to i32
    %sign3A_110 = arith.constant 0 : i32
    %sign3A_111 = arith.cmpi slt, %jit3A_98, %sign3A_110 : i32
    %sign3A_112 = arith.extui %sign3A_111 : i1 to i32
    %sign3A_113 = arith.subi %sign3A_109, %sign3A_112 : i32
    %ne3A_114 = arith.cmpi ne, %sign3A_106, %sign3A_113 : i32
    %rem3A_115 = arith.remsi %add3A_97, %jit3A_98 : i32
    %ne3A_116 = arith.constant 0 : i32
    %ne3A_117 = arith.cmpi ne, %rem3A_115, %ne3A_116 : i32
    %and3A_118 = arith.andi %ne3A_114, %ne3A_117 : i1
    %sub3A_119 = arith.constant 1 : i32
    %sub3A_120 = arith.subi %div3A_99, %sub3A_119 : i32
    %select_n3A_121 = arith.select %and3A_118, %sub3A_120, %div3A_99 : i32
    %jit3A_122 = arith.constant 4 : i32
    %eq3A_123 = arith.constant 0 : i32
    %eq3A_124 = arith.cmpi eq, %jit3A_122, %eq3A_123 : i32
    %jit3A_125 = arith.constant 1 : i32
    %select_n3A_126 = arith.select %eq3A_124, %jit3A_125, %jit3A_122 : i32
    %rem3A_127 = arith.remsi %add3A_97, %select_n3A_126 : i32
    %ne3A_128 = arith.constant 0 : i32
    %ne3A_129 = arith.cmpi ne, %rem3A_127, %ne3A_128 : i32
    %lt3A_130 = arith.constant 0 : i32
    %lt3A_131 = arith.cmpi slt, %rem3A_127, %lt3A_130 : i32
    %lt3A_132 = arith.constant 0 : i32
    %lt3A_133 = arith.cmpi slt, %select_n3A_126, %lt3A_132 : i32
    %ne3A_134 = arith.xori %lt3A_131, %lt3A_133 : i1
    %and3A_135 = arith.andi %ne3A_134, %ne3A_129 : i1
    %add3A_136 = arith.addi %rem3A_127, %select_n3A_126 : i32
    %select_n3A_137 = arith.select %and3A_135, %add3A_136, %rem3A_127 : i32
    %mul3A_138 = arith.constant 48 : i32
    %mul3A_139 = arith.muli %select_n3A_137, %mul3A_138 : i32
    %dma_start3A_140 = arith.constant 0 : i32
    %dma_start3A_141 = tpu.memref_slice %arg2[%select_n3A_121, %mul3A_139, %dma_start3A_140] : memref<384x192x192xf32, #tpu.memory_space<hbm>> -> memref<1x48x192xf32, #tpu.memory_space<hbm>>
    %dma_start3A_142 = tpu.memref_squeeze %dma_start3A_141 : memref<1x48x192xf32, #tpu.memory_space<hbm>> -> memref<48x192xf32, #tpu.memory_space<hbm>>
    %dma_start3A_143 = arith.constant 0 : i32
    %dma_start3A_144 = tpu.memref_slice %arg2[%select_n3A_121, %mul3A_139, %dma_start3A_143] : memref<384x192x192xf32, #tpu.memory_space<hbm>> -> memref<1x48x192xf32, #tpu.memory_space<hbm>>
    %dma_start3A_145 = tpu.memref_squeeze %dma_start3A_144 : memref<1x48x192xf32, #tpu.memory_space<hbm>> -> memref<48x192xf32, #tpu.memory_space<hbm>>
    tpu.enqueue_dma source(%dma_start3A_145 : memref<48x192xf32, #tpu.memory_space<hbm>>) target(%arg6 : memref<48x192xf32, #tpu.memory_space<vmem>>) target_semaphore(%arg12 : memref<!tpu.dma_semaphore, #tpu.memory_space<semaphore_mem>>)
    %add3A_146 = arith.constant 1 : i32
    %add3A_147 = arith.addi %mul3A_2, %add3A_146 : i32
    %jit3A_148 = arith.constant 4 : i32
    %div3A_149 = arith.divsi %add3A_147, %jit3A_148 : i32
    %sign3A_150 = arith.constant 0 : i32
    %sign3A_151 = arith.cmpi sgt, %add3A_147, %sign3A_150 : i32
    %sign3A_152 = arith.extui %sign3A_151 : i1 to i32
    %sign3A_153 = arith.constant 0 : i32
    %sign3A_154 = arith.cmpi slt, %add3A_147, %sign3A_153 : i32
    %sign3A_155 = arith.extui %sign3A_154 : i1 to i32
    %sign3A_156 = arith.subi %sign3A_152, %sign3A_155 : i32
    %sign3A_157 = arith.constant 0 : i32
    %sign3A_158 = arith.cmpi sgt, %jit3A_148, %sign3A_157 : i32
    %sign3A_159 = arith.extui %sign3A_158 : i1 to i32
    %sign3A_160 = arith.constant 0 : i32
    %sign3A_161 = arith.cmpi slt, %jit3A_148, %sign3A_160 : i32
    %sign3A_162 = arith.extui %sign3A_161 : i1 to i32
    %sign3A_163 = arith.subi %sign3A_159, %sign3A_162 : i32
    %ne3A_164 = arith.cmpi ne, %sign3A_156, %sign3A_163 : i32
    %rem3A_165 = arith.remsi %add3A_147, %jit3A_148 : i32
    %ne3A_166 = arith.constant 0 : i32
    %ne3A_167 = arith.cmpi ne, %rem3A_165, %ne3A_166 : i32
    %and3A_168 = arith.andi %ne3A_164, %ne3A_167 : i1
    %sub3A_169 = arith.constant 1 : i32
    %sub3A_170 = arith.subi %div3A_149, %sub3A_169 : i32
    %select_n3A_171 = arith.select %and3A_168, %sub3A_170, %div3A_149 : i32
    %jit3A_172 = arith.constant 4 : i32
    %eq3A_173 = arith.constant 0 : i32
    %eq3A_174 = arith.cmpi eq, %jit3A_172, %eq3A_173 : i32
    %jit3A_175 = arith.constant 1 : i32
    %select_n3A_176 = arith.select %eq3A_174, %jit3A_175, %jit3A_172 : i32
    %rem3A_177 = arith.remsi %add3A_147, %select_n3A_176 : i32
    %ne3A_178 = arith.constant 0 : i32
    %ne3A_179 = arith.cmpi ne, %rem3A_177, %ne3A_178 : i32
    %lt3A_180 = arith.constant 0 : i32
    %lt3A_181 = arith.cmpi slt, %rem3A_177, %lt3A_180 : i32
    %lt3A_182 = arith.constant 0 : i32
    %lt3A_183 = arith.cmpi slt, %select_n3A_176, %lt3A_182 : i32
    %ne3A_184 = arith.xori %lt3A_181, %lt3A_183 : i1
    %and3A_185 = arith.andi %ne3A_184, %ne3A_179 : i1
    %add3A_186 = arith.addi %rem3A_177, %select_n3A_176 : i32
    %select_n3A_187 = arith.select %and3A_185, %add3A_186, %rem3A_177 : i32
    %mul3A_188 = arith.constant 48 : i32
    %mul3A_189 = arith.muli %select_n3A_187, %mul3A_188 : i32
    %dma_start3A_190 = arith.constant 0 : i32
    %dma_start3A_191 = tpu.memref_slice %arg3[%select_n3A_171, %mul3A_189, %dma_start3A_190] : memref<384x192x192xi32, #tpu.memory_space<hbm>> -> memref<1x48x192xi32, #tpu.memory_space<hbm>>
    %dma_start3A_192 = tpu.memref_squeeze %dma_start3A_191 : memref<1x48x192xi32, #tpu.memory_space<hbm>> -> memref<48x192xi32, #tpu.memory_space<hbm>>
    %dma_start3A_193 = arith.constant 0 : i32
    %dma_start3A_194 = tpu.memref_slice %arg3[%select_n3A_171, %mul3A_189, %dma_start3A_193] : memref<384x192x192xi32, #tpu.memory_space<hbm>> -> memref<1x48x192xi32, #tpu.memory_space<hbm>>
    %dma_start3A_195 = tpu.memref_squeeze %dma_start3A_194 : memref<1x48x192xi32, #tpu.memory_space<hbm>> -> memref<48x192xi32, #tpu.memory_space<hbm>>
    tpu.enqueue_dma source(%dma_start3A_195 : memref<48x192xi32, #tpu.memory_space<hbm>>) target(%arg8 : memref<48x192xi32, #tpu.memory_space<vmem>>) target_semaphore(%arg14 : memref<!tpu.dma_semaphore, #tpu.memory_space<semaphore_mem>>)
    %scan3A = arith.constant 0 : i32
    %scan3A_196 = arith.constant 0 : i32
    %scan3A_197 = arith.constant 24 : i32
    %scan3A_198 = arith.addi %scan3A_196, %scan3A_197 : i32
    %scan3A_199 = arith.constant 1 : i32
    %scan3A_200 = scf.for %scan3A_305 = %scan3A_196 to %scan3A_198 step %scan3A_199 iter_args(%scan3A_306 = %scan3A) -> (i32)  : i32 {
      %mul3A_307 = arith.constant 2 : i32
      %mul3A_308 = arith.muli %scan3A_305, %mul3A_307 : i32
      %add3A_309 = arith.constant 0 : i32
      %add3A_310 = arith.addi %mul3A_308, %add3A_309 : i32
      %add3A_311 = arith.addi %mul3A_2, %add3A_310 : i32
      %jit3A_312 = arith.constant 4 : i32
      %div3A_313 = arith.divsi %add3A_311, %jit3A_312 : i32
      %sign3A_314 = arith.constant 0 : i32
      %sign3A_315 = arith.cmpi sgt, %add3A_311, %sign3A_314 : i32
      %sign3A_316 = arith.extui %sign3A_315 : i1 to i32
      %sign3A_317 = arith.constant 0 : i32
      %sign3A_318 = arith.cmpi slt, %add3A_311, %sign3A_317 : i32
      %sign3A_319 = arith.extui %sign3A_318 : i1 to i32
      %sign3A_320 = arith.subi %sign3A_316, %sign3A_319 : i32
      %sign3A_321 = arith.constant 0 : i32
      %sign3A_322 = arith.cmpi sgt, %jit3A_312, %sign3A_321 : i32
      %sign3A_323 = arith.extui %sign3A_322 : i1 to i32
      %sign3A_324 = arith.constant 0 : i32
      %sign3A_325 = arith.cmpi slt, %jit3A_312, %sign3A_324 : i32
      %sign3A_326 = arith.extui %sign3A_325 : i1 to i32
      %sign3A_327 = arith.subi %sign3A_323, %sign3A_326 : i32
      %ne3A_328 = arith.cmpi ne, %sign3A_320, %sign3A_327 : i32
      %rem3A_329 = arith.remsi %add3A_311, %jit3A_312 : i32
      %ne3A_330 = arith.constant 0 : i32
      %ne3A_331 = arith.cmpi ne, %rem3A_329, %ne3A_330 : i32
      %and3A_332 = arith.andi %ne3A_328, %ne3A_331 : i1
      %sub3A_333 = arith.constant 1 : i32
      %sub3A_334 = arith.subi %div3A_313, %sub3A_333 : i32
      %select_n3A_335 = arith.select %and3A_332, %sub3A_334, %div3A_313 : i32
      %jit3A_336 = arith.constant 4 : i32
      %eq3A_337 = arith.constant 0 : i32
      %eq3A_338 = arith.cmpi eq, %jit3A_336, %eq3A_337 : i32
      %jit3A_339 = arith.constant 1 : i32
      %select_n3A_340 = arith.select %eq3A_338, %jit3A_339, %jit3A_336 : i32
      %rem3A_341 = arith.remsi %add3A_311, %select_n3A_340 : i32
      %ne3A_342 = arith.constant 0 : i32
      %ne3A_343 = arith.cmpi ne, %rem3A_341, %ne3A_342 : i32
      %lt3A_344 = arith.constant 0 : i32
      %lt3A_345 = arith.cmpi slt, %rem3A_341, %lt3A_344 : i32
      %lt3A_346 = arith.constant 0 : i32
      %lt3A_347 = arith.cmpi slt, %select_n3A_340, %lt3A_346 : i32
      %ne3A_348 = arith.xori %lt3A_345, %lt3A_347 : i1
      %and3A_349 = arith.andi %ne3A_348, %ne3A_343 : i1
      %add3A_350 = arith.addi %rem3A_341, %select_n3A_340 : i32
      %select_n3A_351 = arith.select %and3A_349, %add3A_350, %rem3A_341 : i32
      %mul3A_352 = arith.constant 48 : i32
      %mul3A_353 = arith.muli %select_n3A_351, %mul3A_352 : i32
      %dma_wait3A_354 = arith.constant 0 : i32
      %dma_wait3A_355 = tpu.memref_slice %arg2[%select_n3A_335, %mul3A_353, %dma_wait3A_354] : memref<384x192x192xf32, #tpu.memory_space<hbm>> -> memref<1x48x192xf32, #tpu.memory_space<hbm>>
      %dma_wait3A_356 = tpu.memref_squeeze %dma_wait3A_355 : memref<1x48x192xf32, #tpu.memory_space<hbm>> -> memref<48x192xf32, #tpu.memory_space<hbm>>
      %dma_wait3A_357 = arith.constant 0 : i32
      %dma_wait3A_358 = tpu.memref_slice %arg2[%select_n3A_335, %mul3A_353, %dma_wait3A_357] : memref<384x192x192xf32, #tpu.memory_space<hbm>> -> memref<1x48x192xf32, #tpu.memory_space<hbm>>
      %dma_wait3A_359 = tpu.memref_squeeze %dma_wait3A_358 : memref<1x48x192xf32, #tpu.memory_space<hbm>> -> memref<48x192xf32, #tpu.memory_space<hbm>>
      tpu.wait_dma2 semaphore(%arg11 : memref<!tpu.dma_semaphore, #tpu.memory_space<semaphore_mem>>) src(%dma_wait3A_359 : memref<48x192xf32, #tpu.memory_space<hbm>>) dst(%arg5 : memref<48x192xf32, #tpu.memory_space<vmem>>)
      %add3A_360 = arith.addi %mul3A_2, %add3A_310 : i32
      %jit3A_361 = arith.constant 4 : i32
      %div3A_362 = arith.divsi %add3A_360, %jit3A_361 : i32
      %sign3A_363 = arith.constant 0 : i32
      %sign3A_364 = arith.cmpi sgt, %add3A_360, %sign3A_363 : i32
      %sign3A_365 = arith.extui %sign3A_364 : i1 to i32
      %sign3A_366 = arith.constant 0 : i32
      %sign3A_367 = arith.cmpi slt, %add3A_360, %sign3A_366 : i32
      %sign3A_368 = arith.extui %sign3A_367 : i1 to i32
      %sign3A_369 = arith.subi %sign3A_365, %sign3A_368 : i32
      %sign3A_370 = arith.constant 0 : i32
      %sign3A_371 = arith.cmpi sgt, %jit3A_361, %sign3A_370 : i32
      %sign3A_372 = arith.extui %sign3A_371 : i1 to i32
      %sign3A_373 = arith.constant 0 : i32
      %sign3A_374 = arith.cmpi slt, %jit3A_361, %sign3A_373 : i32
      %sign3A_375 = arith.extui %sign3A_374 : i1 to i32
      %sign3A_376 = arith.subi %sign3A_372, %sign3A_375 : i32
      %ne3A_377 = arith.cmpi ne, %sign3A_369, %sign3A_376 : i32
      %rem3A_378 = arith.remsi %add3A_360, %jit3A_361 : i32
      %ne3A_379 = arith.constant 0 : i32
      %ne3A_380 = arith.cmpi ne, %rem3A_378, %ne3A_379 : i32
      %and3A_381 = arith.andi %ne3A_377, %ne3A_380 : i1
      %sub3A_382 = arith.constant 1 : i32
      %sub3A_383 = arith.subi %div3A_362, %sub3A_382 : i32
      %select_n3A_384 = arith.select %and3A_381, %sub3A_383, %div3A_362 : i32
      %jit3A_385 = arith.constant 4 : i32
      %eq3A_386 = arith.constant 0 : i32
      %eq3A_387 = arith.cmpi eq, %jit3A_385, %eq3A_386 : i32
      %jit3A_388 = arith.constant 1 : i32
      %select_n3A_389 = arith.select %eq3A_387, %jit3A_388, %jit3A_385 : i32
      %rem3A_390 = arith.remsi %add3A_360, %select_n3A_389 : i32
      %ne3A_391 = arith.constant 0 : i32
      %ne3A_392 = arith.cmpi ne, %rem3A_390, %ne3A_391 : i32
      %lt3A_393 = arith.constant 0 : i32
      %lt3A_394 = arith.cmpi slt, %rem3A_390, %lt3A_393 : i32
      %lt3A_395 = arith.constant 0 : i32
      %lt3A_396 = arith.cmpi slt, %select_n3A_389, %lt3A_395 : i32
      %ne3A_397 = arith.xori %lt3A_394, %lt3A_396 : i1
      %and3A_398 = arith.andi %ne3A_397, %ne3A_392 : i1
      %add3A_399 = arith.addi %rem3A_390, %select_n3A_389 : i32
      %select_n3A_400 = arith.select %and3A_398, %add3A_399, %rem3A_390 : i32
      %mul3A_401 = arith.constant 48 : i32
      %mul3A_402 = arith.muli %select_n3A_400, %mul3A_401 : i32
      %dma_wait3A_403 = arith.constant 0 : i32
      %dma_wait3A_404 = tpu.memref_slice %arg3[%select_n3A_384, %mul3A_402, %dma_wait3A_403] : memref<384x192x192xi32, #tpu.memory_space<hbm>> -> memref<1x48x192xi32, #tpu.memory_space<hbm>>
      %dma_wait3A_405 = tpu.memref_squeeze %dma_wait3A_404 : memref<1x48x192xi32, #tpu.memory_space<hbm>> -> memref<48x192xi32, #tpu.memory_space<hbm>>
      %dma_wait3A_406 = arith.constant 0 : i32
      %dma_wait3A_407 = tpu.memref_slice %arg3[%select_n3A_384, %mul3A_402, %dma_wait3A_406] : memref<384x192x192xi32, #tpu.memory_space<hbm>> -> memref<1x48x192xi32, #tpu.memory_space<hbm>>
      %dma_wait3A_408 = tpu.memref_squeeze %dma_wait3A_407 : memref<1x48x192xi32, #tpu.memory_space<hbm>> -> memref<48x192xi32, #tpu.memory_space<hbm>>
      tpu.wait_dma2 semaphore(%arg13 : memref<!tpu.dma_semaphore, #tpu.memory_space<semaphore_mem>>) src(%dma_wait3A_408 : memref<48x192xi32, #tpu.memory_space<hbm>>) dst(%arg7 : memref<48x192xi32, #tpu.memory_space<vmem>>)
      %ge3A = arith.constant 2 : i32
      %ge3A_409 = arith.cmpi sge, %add3A_310, %ge3A : i32
      %convert_element_type3A = arith.extui %ge3A_409 : i1 to i32
      %cond3A = arith.constant 0 : i32
      %cond3A_410 = arith.cmpi ne, %convert_element_type3A, %cond3A : i32
      scf.if %cond3A_410 {
        %sub3A_730 = arith.constant 2 : i32
        %sub3A_731 = arith.subi %add3A_310, %sub3A_730 : i32
        %add3A_732 = arith.addi %mul3A_2, %sub3A_731 : i32
        %jit3A_733 = arith.constant 4 : i32
        %div3A_734 = arith.divsi %add3A_732, %jit3A_733 : i32
        %sign3A_735 = arith.constant 0 : i32
        %sign3A_736 = arith.cmpi sgt, %add3A_732, %sign3A_735 : i32
        %sign3A_737 = arith.extui %sign3A_736 : i1 to i32
        %sign3A_738 = arith.constant 0 : i32
        %sign3A_739 = arith.cmpi slt, %add3A_732, %sign3A_738 : i32
        %sign3A_740 = arith.extui %sign3A_739 : i1 to i32
        %sign3A_741 = arith.subi %sign3A_737, %sign3A_740 : i32
        %sign3A_742 = arith.constant 0 : i32
        %sign3A_743 = arith.cmpi sgt, %jit3A_733, %sign3A_742 : i32
        %sign3A_744 = arith.extui %sign3A_743 : i1 to i32
        %sign3A_745 = arith.constant 0 : i32
        %sign3A_746 = arith.cmpi slt, %jit3A_733, %sign3A_745 : i32
        %sign3A_747 = arith.extui %sign3A_746 : i1 to i32
        %sign3A_748 = arith.subi %sign3A_744, %sign3A_747 : i32
        %ne3A_749 = arith.cmpi ne, %sign3A_741, %sign3A_748 : i32
        %rem3A_750 = arith.remsi %add3A_732, %jit3A_733 : i32
        %ne3A_751 = arith.constant 0 : i32
        %ne3A_752 = arith.cmpi ne, %rem3A_750, %ne3A_751 : i32
        %and3A_753 = arith.andi %ne3A_749, %ne3A_752 : i1
        %sub3A_754 = arith.constant 1 : i32
        %sub3A_755 = arith.subi %div3A_734, %sub3A_754 : i32
        %select_n3A_756 = arith.select %and3A_753, %sub3A_755, %div3A_734 : i32
        %jit3A_757 = arith.constant 4 : i32
        %eq3A_758 = arith.constant 0 : i32
        %eq3A_759 = arith.cmpi eq, %jit3A_757, %eq3A_758 : i32
        %jit3A_760 = arith.constant 1 : i32
        %select_n3A_761 = arith.select %eq3A_759, %jit3A_760, %jit3A_757 : i32
        %rem3A_762 = arith.remsi %add3A_732, %select_n3A_761 : i32
        %ne3A_763 = arith.constant 0 : i32
        %ne3A_764 = arith.cmpi ne, %rem3A_762, %ne3A_763 : i32
        %lt3A_765 = arith.constant 0 : i32
        %lt3A_766 = arith.cmpi slt, %rem3A_762, %lt3A_765 : i32
        %lt3A_767 = arith.constant 0 : i32
        %lt3A_768 = arith.cmpi slt, %select_n3A_761, %lt3A_767 : i32
        %ne3A_769 = arith.xori %lt3A_766, %lt3A_768 : i1
        %and3A_770 = arith.andi %ne3A_769, %ne3A_764 : i1
        %add3A_771 = arith.addi %rem3A_762, %select_n3A_761 : i32
        %select_n3A_772 = arith.select %and3A_770, %add3A_771, %rem3A_762 : i32
        %mul3A_773 = arith.constant 2 : i32
        %mul3A_774 = arith.muli %select_n3A_772, %mul3A_773 : i32
        %mul3A_775 = arith.constant 48 : i32
        %mul3A_776 = arith.muli %mul3A_774, %mul3A_775 : i32
        %dma_wait3A_777 = arith.constant 0 : i32
        %dma_wait3A_778 = tpu.memref_slice %arg4[%select_n3A_756, %mul3A_776, %dma_wait3A_777] : memref<384x384x384xf32, #tpu.memory_space<hbm>> -> memref<1x96x384xf32, #tpu.memory_space<hbm>>
        %dma_wait3A_779 = tpu.memref_squeeze %dma_wait3A_778 : memref<1x96x384xf32, #tpu.memory_space<hbm>> -> memref<96x384xf32, #tpu.memory_space<hbm>>
        %dma_wait3A_780 = arith.constant 0 : i32
        %dma_wait3A_781 = tpu.memref_slice %arg4[%select_n3A_756, %mul3A_776, %dma_wait3A_780] : memref<384x384x384xf32, #tpu.memory_space<hbm>> -> memref<1x96x384xf32, #tpu.memory_space<hbm>>
        %dma_wait3A_782 = tpu.memref_squeeze %dma_wait3A_781 : memref<1x96x384xf32, #tpu.memory_space<hbm>> -> memref<96x384xf32, #tpu.memory_space<hbm>>
        tpu.wait_dma2 semaphore(%arg15 : memref<!tpu.dma_semaphore, #tpu.memory_space<semaphore_mem>>) src(%arg9 : memref<96x384xf32, #tpu.memory_space<vmem>>) dst(%dma_wait3A_782 : memref<96x384xf32, #tpu.memory_space<hbm>>)
      } else {
      }
      %parallel_loop3A = arith.constant 0 : i32
      %parallel_loop3A_411 = arith.constant 96 : i32
      %parallel_loop3A_412 = arith.constant 1 : i32
      scf.for %parallel_loop3A_730 = %parallel_loop3A to %parallel_loop3A_411 step %parallel_loop3A_412  : i32 {
        %parallel_loop3A_731 = arith.constant 0 : i32
        %parallel_loop3A_732 = arith.constant 384 : i32
        %parallel_loop3A_733 = arith.constant 16 : i32
        scf.for %parallel_loop3A_734 = %parallel_loop3A_731 to %parallel_loop3A_732 step %parallel_loop3A_733  : i32 {
          %parallel_loop3A_735 = arith.index_cast %parallel_loop3A_730 : i32 to index
          %parallel_loop3A_736 = arith.index_cast %parallel_loop3A_734 : i32 to index
          %parallel_loop3A_737 = tpu.vector_load %arg9[%parallel_loop3A_735, %parallel_loop3A_736] {strides = array<i32>} : memref<96x384xf32, #tpu.memory_space<vmem>>, vector<16xf32>,
          tpu.vector_store %arg9[%parallel_loop3A_735, %parallel_loop3A_736], %broadcast_in_dim3A_3 {strides = array<i32>} : memref<96x384xf32, #tpu.memory_space<vmem>>, vector<16xf32>,
        } {sc.loop_unroll_factor = 8 : i64, sc.parallel_access}
      } {sc.loop_unroll_factor = 4 : i64, sc.parallel_access}
      %add3A_413 = arith.addi %mul3A_2, %add3A_310 : i32
      %jit3A_414 = arith.constant 4 : i32
      %div3A_415 = arith.divsi %add3A_413, %jit3A_414 : i32
      %sign3A_416 = arith.constant 0 : i32
      %sign3A_417 = arith.cmpi sgt, %add3A_413, %sign3A_416 : i32
      %sign3A_418 = arith.extui %sign3A_417 : i1 to i32
      %sign3A_419 = arith.constant 0 : i32
      %sign3A_420 = arith.cmpi slt, %add3A_413, %sign3A_419 : i32
      %sign3A_421 = arith.extui %sign3A_420 : i1 to i32
      %sign3A_422 = arith.subi %sign3A_418, %sign3A_421 : i32
      %sign3A_423 = arith.constant 0 : i32
      %sign3A_424 = arith.cmpi sgt, %jit3A_414, %sign3A_423 : i32
      %sign3A_425 = arith.extui %sign3A_424 : i1 to i32
      %sign3A_426 = arith.constant 0 : i32
      %sign3A_427 = arith.cmpi slt, %jit3A_414, %sign3A_426 : i32
      %sign3A_428 = arith.extui %sign3A_427 : i1 to i32
      %sign3A_429 = arith.subi %sign3A_425, %sign3A_428 : i32
      %ne3A_430 = arith.cmpi ne, %sign3A_422, %sign3A_429 : i32
      %rem3A_431 = arith.remsi %add3A_413, %jit3A_414 : i32
      %ne3A_432 = arith.constant 0 : i32
      %ne3A_433 = arith.cmpi ne, %rem3A_431, %ne3A_432 : i32
      %and3A_434 = arith.andi %ne3A_430, %ne3A_433 : i1
      %sub3A_435 = arith.constant 1 : i32
      %sub3A_436 = arith.subi %div3A_415, %sub3A_435 : i32
      %select_n3A_437 = arith.select %and3A_434, %sub3A_436, %div3A_415 : i32
      %jit3A_438 = arith.constant 4 : i32
      %eq3A_439 = arith.constant 0 : i32
      %eq3A_440 = arith.cmpi eq, %jit3A_438, %eq3A_439 : i32
      %jit3A_441 = arith.constant 1 : i32
      %select_n3A_442 = arith.select %eq3A_440, %jit3A_441, %jit3A_438 : i32
      %rem3A_443 = arith.remsi %add3A_413, %select_n3A_442 : i32
      %ne3A_444 = arith.constant 0 : i32
      %ne3A_445 = arith.cmpi ne, %rem3A_443, %ne3A_444 : i32
      %lt3A_446 = arith.constant 0 : i32
      %lt3A_447 = arith.cmpi slt, %rem3A_443, %lt3A_446 : i32
      %lt3A_448 = arith.constant 0 : i32
      %lt3A_449 = arith.cmpi slt, %select_n3A_442, %lt3A_448 : i32
      %ne3A_450 = arith.xori %lt3A_447, %lt3A_449 : i1
      %and3A_451 = arith.andi %ne3A_450, %ne3A_445 : i1
      %add3A_452 = arith.addi %rem3A_443, %select_n3A_442 : i32
      %select_n3A_453 = arith.select %and3A_451, %add3A_452, %rem3A_443 : i32
      %mul3A_454 = arith.constant 48 : i32
      %mul3A_455 = arith.muli %select_n3A_453, %mul3A_454 : i32
      %parallel_loop3A_456 = arith.constant 0 : i32
      %parallel_loop3A_457 = arith.constant 48 : i32
      %parallel_loop3A_458 = arith.constant 1 : i32
      scf.for %parallel_loop3A_730 = %parallel_loop3A_456 to %parallel_loop3A_457 step %parallel_loop3A_458  : i32 {
        %parallel_loop3A_731 = arith.addi %mul3A_455, %parallel_loop3A_730 : i32
        %parallel_loop3A_732 = arith.constant 2 : i32
        %parallel_loop3A_733 = arith.muli %parallel_loop3A_732, %parallel_loop3A_731 : i32
        %parallel_loop3A_734 = arith.constant 384 : i32
        %parallel_loop3A_735 = arith.muli %parallel_loop3A_733, %parallel_loop3A_734 : i32
        %parallel_loop3A_736 = arith.constant 0 : i32
        %parallel_loop3A_737 = arith.constant 192 : i32
        %parallel_loop3A_738 = arith.constant 16 : i32
        scf.for %parallel_loop3A_739 = %parallel_loop3A_736 to %parallel_loop3A_737 step %parallel_loop3A_738  : i32 {
          %parallel_loop3A_740 = arith.index_cast %parallel_loop3A_730 : i32 to index
          %parallel_loop3A_741 = arith.index_cast %parallel_loop3A_739 : i32 to index
          %parallel_loop3A_742 = tpu.vector_load %arg5[%parallel_loop3A_740, %parallel_loop3A_741] {strides = array<i32>} : memref<48x192xf32, #tpu.memory_space<vmem>>, vector<16xf32>,
          %parallel_loop3A_743 = arith.index_cast %parallel_loop3A_730 : i32 to index
          %parallel_loop3A_744 = arith.index_cast %parallel_loop3A_739 : i32 to index
          %parallel_loop3A_745 = tpu.vector_load %arg7[%parallel_loop3A_743, %parallel_loop3A_744] {strides = array<i32>} : memref<48x192xi32, #tpu.memory_space<vmem>>, vector<16xi32>,
          %parallel_loop3A_746 = arith.constant 2 : i32
          %parallel_loop3A_747 = arith.muli %parallel_loop3A_746, %parallel_loop3A_739 : i32
          %parallel_loop3A_748 = vector.broadcast %parallel_loop3A_747 : i32 to vector<16xi32>
          %parallel_loop3A_749 = arith.addi %parallel_loop3A_748, %mul3A_6 : vector<16xi32>
          %parallel_loop3A_750 = vector.broadcast %parallel_loop3A_735 : i32 to vector<16xi32>
          %parallel_loop3A_751 = arith.addi %parallel_loop3A_750, %parallel_loop3A_749 : vector<16xi32>
          %parallel_loop3A_752 = arith.subi %parallel_loop3A_745, %parallel_loop3A_751 : vector<16xi32>
          %parallel_loop3A_753 = arith.constant 7 : i32
          %parallel_loop3A_754 = vector.broadcast %parallel_loop3A_753 : i32 to vector<16xi32>
          %parallel_loop3A_755 = arith.shrsi %parallel_loop3A_752, %parallel_loop3A_754 : vector<16xi32>
          %parallel_loop3A_756 = arith.constant 1 : i32
          %parallel_loop3A_757 = vector.broadcast %parallel_loop3A_756 : i32 to vector<16xi32>
          %parallel_loop3A_758 = arith.andi %parallel_loop3A_755, %parallel_loop3A_757 : vector<16xi32>
          %parallel_loop3A_759 = arith.constant 1 : i32
          %parallel_loop3A_760 = vector.broadcast %parallel_loop3A_759 : i32 to vector<16xi32>
          %parallel_loop3A_761 = arith.andi %parallel_loop3A_752, %parallel_loop3A_760 : vector<16xi32>
          %parallel_loop3A_762 = arith.constant 2 : i32
          %parallel_loop3A_763 = arith.muli %parallel_loop3A_762, %parallel_loop3A_730 : i32
          %parallel_loop3A_764 = vector.broadcast %parallel_loop3A_763 : i32 to vector<16xi32>
          %parallel_loop3A_765 = arith.addi %parallel_loop3A_764, %parallel_loop3A_758 : vector<16xi32>
          %parallel_loop3A_766 = arith.addi %parallel_loop3A_749, %parallel_loop3A_761 : vector<16xi32>
          tpu.vector_store_idx %arg9[%parallel_loop3A_765, %parallel_loop3A_766], %parallel_loop3A_742 : memref<96x384xf32, #tpu.memory_space<vmem>>[vector<16xi32>, vector<16xi32>], vector<16xf32>,
        } {sc.loop_unroll_factor = 6 : i64, sc.parallel_access}
      } {sc.loop_unroll_factor = 1 : i64, sc.parallel_access}
      %add3A_459 = arith.addi %mul3A_2, %add3A_310 : i32
      %jit3A_460 = arith.constant 4 : i32
      %div3A_461 = arith.divsi %add3A_459, %jit3A_460 : i32
      %sign3A_462 = arith.constant 0 : i32
      %sign3A_463 = arith.cmpi sgt, %add3A_459, %sign3A_462 : i32
      %sign3A_464 = arith.extui %sign3A_463 : i1 to i32
      %sign3A_465 = arith.constant 0 : i32
      %sign3A_466 = arith.cmpi slt, %add3A_459, %sign3A_465 : i32
      %sign3A_467 = arith.extui %sign3A_466 : i1 to i32
      %sign3A_468 = arith.subi %sign3A_464, %sign3A_467 : i32
      %sign3A_469 = arith.constant 0 : i32
      %sign3A_470 = arith.cmpi sgt, %jit3A_460, %sign3A_469 : i32
      %sign3A_471 = arith.extui %sign3A_470 : i1 to i32
      %sign3A_472 = arith.constant 0 : i32
      %sign3A_473 = arith.cmpi slt, %jit3A_460, %sign3A_472 : i32
      %sign3A_474 = arith.extui %sign3A_473 : i1 to i32
      %sign3A_475 = arith.subi %sign3A_471, %sign3A_474 : i32
      %ne3A_476 = arith.cmpi ne, %sign3A_468, %sign3A_475 : i32
      %rem3A_477 = arith.remsi %add3A_459, %jit3A_460 : i32
      %ne3A_478 = arith.constant 0 : i32
      %ne3A_479 = arith.cmpi ne, %rem3A_477, %ne3A_478 : i32
      %and3A_480 = arith.andi %ne3A_476, %ne3A_479 : i1
      %sub3A_481 = arith.constant 1 : i32
      %sub3A_482 = arith.subi %div3A_461, %sub3A_481 : i32
      %select_n3A_483 = arith.select %and3A_480, %sub3A_482, %div3A_461 : i32
      %jit3A_484 = arith.constant 4 : i32
      %eq3A_485 = arith.constant 0 : i32
      %eq3A_486 = arith.cmpi eq, %jit3A_484, %eq3A_485 : i32
      %jit3A_487 = arith.constant 1 : i32
      %select_n3A_488 = arith.select %eq3A_486, %jit3A_487, %jit3A_484 : i32
      %rem3A_489 = arith.remsi %add3A_459, %select_n3A_488 : i32
      %ne3A_490 = arith.constant 0 : i32
      %ne3A_491 = arith.cmpi ne, %rem3A_489, %ne3A_490 : i32
      %lt3A_492 = arith.constant 0 : i32
      %lt3A_493 = arith.cmpi slt, %rem3A_489, %lt3A_492 : i32
      %lt3A_494 = arith.constant 0 : i32
      %lt3A_495 = arith.cmpi slt, %select_n3A_488, %lt3A_494 : i32
      %ne3A_496 = arith.xori %lt3A_493, %lt3A_495 : i1
      %and3A_497 = arith.andi %ne3A_496, %ne3A_491 : i1
      %add3A_498 = arith.addi %rem3A_489, %select_n3A_488 : i32
      %select_n3A_499 = arith.select %and3A_497, %add3A_498, %rem3A_489 : i32
      %mul3A_500 = arith.constant 2 : i32
      %mul3A_501 = arith.muli %select_n3A_499, %mul3A_500 : i32
      %mul3A_502 = arith.constant 48 : i32
      %mul3A_503 = arith.muli %mul3A_501, %mul3A_502 : i32
      %dma_start3A_504 = arith.constant 0 : i32
      %dma_start3A_505 = tpu.memref_slice %arg4[%select_n3A_483, %mul3A_503, %dma_start3A_504] : memref<384x384x384xf32, #tpu.memory_space<hbm>> -> memref<1x96x384xf32, #tpu.memory_space<hbm>>
      %dma_start3A_506 = tpu.memref_squeeze %dma_start3A_505 : memref<1x96x384xf32, #tpu.memory_space<hbm>> -> memref<96x384xf32, #tpu.memory_space<hbm>>
      %dma_start3A_507 = arith.constant 0 : i32
      %dma_start3A_508 = tpu.memref_slice %arg4[%select_n3A_483, %mul3A_503, %dma_start3A_507] : memref<384x384x384xf32, #tpu.memory_space<hbm>> -> memref<1x96x384xf32, #tpu.memory_space<hbm>>
      %dma_start3A_509 = tpu.memref_squeeze %dma_start3A_508 : memref<1x96x384xf32, #tpu.memory_space<hbm>> -> memref<96x384xf32, #tpu.memory_space<hbm>>
      tpu.enqueue_dma source(%arg9 : memref<96x384xf32, #tpu.memory_space<vmem>>) target(%dma_start3A_509 : memref<96x384xf32, #tpu.memory_space<hbm>>) target_semaphore(%arg15 : memref<!tpu.dma_semaphore, #tpu.memory_space<semaphore_mem>>)
      %add3A_510 = arith.constant 2 : i32
      %add3A_511 = arith.addi %add3A_310, %add3A_510 : i32
      %lt3A_512 = arith.constant 48 : i32
      %lt3A_513 = arith.cmpi slt, %add3A_511, %lt3A_512 : i32
      %convert_element_type3A_514 = arith.extui %lt3A_513 : i1 to i32
      %cond3A_515 = arith.constant 0 : i32
      %cond3A_516 = arith.cmpi ne, %convert_element_type3A_514, %cond3A_515 : i32
      scf.if %cond3A_516 {
        %add3A_730 = arith.constant 2 : i32
        %add3A_731 = arith.addi %add3A_310, %add3A_730 : i32
        %add3A_732 = arith.addi %mul3A_2, %add3A_731 : i32
        %jit3A_733 = arith.constant 4 : i32
        %div3A_734 = arith.divsi %add3A_732, %jit3A_733 : i32
        %sign3A_735 = arith.constant 0 : i32
        %sign3A_736 = arith.cmpi sgt, %add3A_732, %sign3A_735 : i32
        %sign3A_737 = arith.extui %sign3A_736 : i1 to i32
        %sign3A_738 = arith.constant 0 : i32
        %sign3A_739 = arith.cmpi slt, %add3A_732, %sign3A_738 : i32
        %sign3A_740 = arith.extui %sign3A_739 : i1 to i32
        %sign3A_741 = arith.subi %sign3A_737, %sign3A_740 : i32
        %sign3A_742 = arith.constant 0 : i32
        %sign3A_743 = arith.cmpi sgt, %jit3A_733, %sign3A_742 : i32
        %sign3A_744 = arith.extui %sign3A_743 : i1 to i32
        %sign3A_745 = arith.constant 0 : i32
        %sign3A_746 = arith.cmpi slt, %jit3A_733, %sign3A_745 : i32
        %sign3A_747 = arith.extui %sign3A_746 : i1 to i32
        %sign3A_748 = arith.subi %sign3A_744, %sign3A_747 : i32
        %ne3A_749 = arith.cmpi ne, %sign3A_741, %sign3A_748 : i32
        %rem3A_750 = arith.remsi %add3A_732, %jit3A_733 : i32
        %ne3A_751 = arith.constant 0 : i32
        %ne3A_752 = arith.cmpi ne, %rem3A_750, %ne3A_751 : i32
        %and3A_753 = arith.andi %ne3A_749, %ne3A_752 : i1
        %sub3A_754 = arith.constant 1 : i32
        %sub3A_755 = arith.subi %div3A_734, %sub3A_754 : i32
        %select_n3A_756 = arith.select %and3A_753, %sub3A_755, %div3A_734 : i32
        %jit3A_757 = arith.constant 4 : i32
        %eq3A_758 = arith.constant 0 : i32
        %eq3A_759 = arith.cmpi eq, %jit3A_757, %eq3A_758 : i32
        %jit3A_760 = arith.constant 1 : i32
        %select_n3A_761 = arith.select %eq3A_759, %jit3A_760, %jit3A_757 : i32
        %rem3A_762 = arith.remsi %add3A_732, %select_n3A_761 : i32
        %ne3A_763 = arith.constant 0 : i32
        %ne3A_764 = arith.cmpi ne, %rem3A_762, %ne3A_763 : i32
        %lt3A_765 = arith.constant 0 : i32
        %lt3A_766 = arith.cmpi slt, %rem3A_762, %lt3A_765 : i32
        %lt3A_767 = arith.constant 0 : i32
        %lt3A_768 = arith.cmpi slt, %select_n3A_761, %lt3A_767 : i32
        %ne3A_769 = arith.xori %lt3A_766, %lt3A_768 : i1
        %and3A_770 = arith.andi %ne3A_769, %ne3A_764 : i1
        %add3A_771 = arith.addi %rem3A_762, %select_n3A_761 : i32
        %select_n3A_772 = arith.select %and3A_770, %add3A_771, %rem3A_762 : i32
        %mul3A_773 = arith.constant 48 : i32
        %mul3A_774 = arith.muli %select_n3A_772, %mul3A_773 : i32
        %dma_start3A_775 = arith.constant 0 : i32
        %dma_start3A_776 = tpu.memref_slice %arg2[%select_n3A_756, %mul3A_774, %dma_start3A_775] : memref<384x192x192xf32, #tpu.memory_space<hbm>> -> memref<1x48x192xf32, #tpu.memory_space<hbm>>
        %dma_start3A_777 = tpu.memref_squeeze %dma_start3A_776 : memref<1x48x192xf32, #tpu.memory_space<hbm>> -> memref<48x192xf32, #tpu.memory_space<hbm>>
        %dma_start3A_778 = arith.constant 0 : i32
        %dma_start3A_779 = tpu.memref_slice %arg2[%select_n3A_756, %mul3A_774, %dma_start3A_778] : memref<384x192x192xf32, #tpu.memory_space<hbm>> -> memref<1x48x192xf32, #tpu.memory_space<hbm>>
        %dma_start3A_780 = tpu.memref_squeeze %dma_start3A_779 : memref<1x48x192xf32, #tpu.memory_space<hbm>> -> memref<48x192xf32, #tpu.memory_space<hbm>>
        tpu.enqueue_dma source(%dma_start3A_780 : memref<48x192xf32, #tpu.memory_space<hbm>>) target(%arg5 : memref<48x192xf32, #tpu.memory_space<vmem>>) target_semaphore(%arg11 : memref<!tpu.dma_semaphore, #tpu.memory_space<semaphore_mem>>)
        %add3A_781 = arith.constant 2 : i32
        %add3A_782 = arith.addi %add3A_310, %add3A_781 : i32
        %add3A_783 = arith.addi %mul3A_2, %add3A_782 : i32
        %jit3A_784 = arith.constant 4 : i32
        %div3A_785 = arith.divsi %add3A_783, %jit3A_784 : i32
        %sign3A_786 = arith.constant 0 : i32
        %sign3A_787 = arith.cmpi sgt, %add3A_783, %sign3A_786 : i32
        %sign3A_788 = arith.extui %sign3A_787 : i1 to i32
        %sign3A_789 = arith.constant 0 : i32
        %sign3A_790 = arith.cmpi slt, %add3A_783, %sign3A_789 : i32
        %sign3A_791 = arith.extui %sign3A_790 : i1 to i32
        %sign3A_792 = arith.subi %sign3A_788, %sign3A_791 : i32
        %sign3A_793 = arith.constant 0 : i32
        %sign3A_794 = arith.cmpi sgt, %jit3A_784, %sign3A_793 : i32
        %sign3A_795 = arith.extui %sign3A_794 : i1 to i32
        %sign3A_796 = arith.constant 0 : i32
        %sign3A_797 = arith.cmpi slt, %jit3A_784, %sign3A_796 : i32
        %sign3A_798 = arith.extui %sign3A_797 : i1 to i32
        %sign3A_799 = arith.subi %sign3A_795, %sign3A_798 : i32
        %ne3A_800 = arith.cmpi ne, %sign3A_792, %sign3A_799 : i32
        %rem3A_801 = arith.remsi %add3A_783, %jit3A_784 : i32
        %ne3A_802 = arith.constant 0 : i32
        %ne3A_803 = arith.cmpi ne, %rem3A_801, %ne3A_802 : i32
        %and3A_804 = arith.andi %ne3A_800, %ne3A_803 : i1
        %sub3A_805 = arith.constant 1 : i32
        %sub3A_806 = arith.subi %div3A_785, %sub3A_805 : i32
        %select_n3A_807 = arith.select %and3A_804, %sub3A_806, %div3A_785 : i32
        %jit3A_808 = arith.constant 4 : i32
        %eq3A_809 = arith.constant 0 : i32
        %eq3A_810 = arith.cmpi eq, %jit3A_808, %eq3A_809 : i32
        %jit3A_811 = arith.constant 1 : i32
        %select_n3A_812 = arith.select %eq3A_810, %jit3A_811, %jit3A_808 : i32
        %rem3A_813 = arith.remsi %add3A_783, %select_n3A_812 : i32
        %ne3A_814 = arith.constant 0 : i32
        %ne3A_815 = arith.cmpi ne, %rem3A_813, %ne3A_814 : i32
        %lt3A_816 = arith.constant 0 : i32
        %lt3A_817 = arith.cmpi slt, %rem3A_813, %lt3A_816 : i32
        %lt3A_818 = arith.constant 0 : i32
        %lt3A_819 = arith.cmpi slt, %select_n3A_812, %lt3A_818 : i32
        %ne3A_820 = arith.xori %lt3A_817, %lt3A_819 : i1
        %and3A_821 = arith.andi %ne3A_820, %ne3A_815 : i1
        %add3A_822 = arith.addi %rem3A_813, %select_n3A_812 : i32
        %select_n3A_823 = arith.select %and3A_821, %add3A_822, %rem3A_813 : i32
        %mul3A_824 = arith.constant 48 : i32
        %mul3A_825 = arith.muli %select_n3A_823, %mul3A_824 : i32
        %dma_start3A_826 = arith.constant 0 : i32
        %dma_start3A_827 = tpu.memref_slice %arg3[%select_n3A_807, %mul3A_825, %dma_start3A_826] : memref<384x192x192xi32, #tpu.memory_space<hbm>> -> memref<1x48x192xi32, #tpu.memory_space<hbm>>
        %dma_start3A_828 = tpu.memref_squeeze %dma_start3A_827 : memref<1x48x192xi32, #tpu.memory_space<hbm>> -> memref<48x192xi32, #tpu.memory_space<hbm>>
        %dma_start3A_829 = arith.constant 0 : i32
        %dma_start3A_830 = tpu.memref_slice %arg3[%select_n3A_807, %mul3A_825, %dma_start3A_829] : memref<384x192x192xi32, #tpu.memory_space<hbm>> -> memref<1x48x192xi32, #tpu.memory_space<hbm>>
        %dma_start3A_831 = tpu.memref_squeeze %dma_start3A_830 : memref<1x48x192xi32, #tpu.memory_space<hbm>> -> memref<48x192xi32, #tpu.memory_space<hbm>>
        tpu.enqueue_dma source(%dma_start3A_831 : memref<48x192xi32, #tpu.memory_space<hbm>>) target(%arg7 : memref<48x192xi32, #tpu.memory_space<vmem>>) target_semaphore(%arg13 : memref<!tpu.dma_semaphore, #tpu.memory_space<semaphore_mem>>)
      } else {
      }
      %add3A_517 = arith.constant 1 : i32
      %add3A_518 = arith.addi %mul3A_308, %add3A_517 : i32
      %add3A_519 = arith.addi %mul3A_2, %add3A_518 : i32
      %jit3A_520 = arith.constant 4 : i32
      %div3A_521 = arith.divsi %add3A_519, %jit3A_520 : i32
      %sign3A_522 = arith.constant 0 : i32
      %sign3A_523 = arith.cmpi sgt, %add3A_519, %sign3A_522 : i32
      %sign3A_524 = arith.extui %sign3A_523 : i1 to i32
      %sign3A_525 = arith.constant 0 : i32
      %sign3A_526 = arith.cmpi slt, %add3A_519, %sign3A_525 : i32
      %sign3A_527 = arith.extui %sign3A_526 : i1 to i32
      %sign3A_528 = arith.subi %sign3A_524, %sign3A_527 : i32
      %sign3A_529 = arith.constant 0 : i32
      %sign3A_530 = arith.cmpi sgt, %jit3A_520, %sign3A_529 : i32
      %sign3A_531 = arith.extui %sign3A_530 : i1 to i32
      %sign3A_532 = arith.constant 0 : i32
      %sign3A_533 = arith.cmpi slt, %jit3A_520, %sign3A_532 : i32
      %sign3A_534 = arith.extui %sign3A_533 : i1 to i32
      %sign3A_535 = arith.subi %sign3A_531, %sign3A_534 : i32
      %ne3A_536 = arith.cmpi ne, %sign3A_528, %sign3A_535 : i32
      %rem3A_537 = arith.remsi %add3A_519, %jit3A_520 : i32
      %ne3A_538 = arith.constant 0 : i32
      %ne3A_539 = arith.cmpi ne, %rem3A_537, %ne3A_538 : i32
      %and3A_540 = arith.andi %ne3A_536, %ne3A_539 : i1
      %sub3A_541 = arith.constant 1 : i32
      %sub3A_542 = arith.subi %div3A_521, %sub3A_541 : i32
      %select_n3A_543 = arith.select %and3A_540, %sub3A_542, %div3A_521 : i32
      %jit3A_544 = arith.constant 4 : i32
      %eq3A_545 = arith.constant 0 : i32
      %eq3A_546 = arith.cmpi eq, %jit3A_544, %eq3A_545 : i32
      %jit3A_547 = arith.constant 1 : i32
      %select_n3A_548 = arith.select %eq3A_546, %jit3A_547, %jit3A_544 : i32
      %rem3A_549 = arith.remsi %add3A_519, %select_n3A_548 : i32
      %ne3A_550 = arith.constant 0 : i32
      %ne3A_551 = arith.cmpi ne, %rem3A_549, %ne3A_550 : i32
      %lt3A_552 = arith.constant 0 : i32
      %lt3A_553 = arith.cmpi slt, %rem3A_549, %lt3A_552 : i32
      %lt3A_554 = arith.constant 0 : i32
      %lt3A_555 = arith.cmpi slt, %select_n3A_548, %lt3A_554 : i32
      %ne3A_556 = arith.xori %lt3A_553, %lt3A_555 : i1
      %and3A_557 = arith.andi %ne3A_556, %ne3A_551 : i1
      %add3A_558 = arith.addi %rem3A_549, %select_n3A_548 : i32
      %select_n3A_559 = arith.select %and3A_557, %add3A_558, %rem3A_549 : i32
      %mul3A_560 = arith.constant 48 : i32
      %mul3A_561 = arith.muli %select_n3A_559, %mul3A_560 : i32
      %dma_wait3A_562 = arith.constant 0 : i32
      %dma_wait3A_563 = tpu.memref_slice %arg2[%select_n3A_543, %mul3A_561, %dma_wait3A_562] : memref<384x192x192xf32, #tpu.memory_space<hbm>> -> memref<1x48x192xf32, #tpu.memory_space<hbm>>
      %dma_wait3A_564 = tpu.memref_squeeze %dma_wait3A_563 : memref<1x48x192xf32, #tpu.memory_space<hbm>> -> memref<48x192xf32, #tpu.memory_space<hbm>>
      %dma_wait3A_565 = arith.constant 0 : i32
      %dma_wait3A_566 = tpu.memref_slice %arg2[%select_n3A_543, %mul3A_561, %dma_wait3A_565] : memref<384x192x192xf32, #tpu.memory_space<hbm>> -> memref<1x48x192xf32, #tpu.memory_space<hbm>>
      %dma_wait3A_567 = tpu.memref_squeeze %dma_wait3A_566 : memref<1x48x192xf32, #tpu.memory_space<hbm>> -> memref<48x192xf32, #tpu.memory_space<hbm>>
      tpu.wait_dma2 semaphore(%arg12 : memref<!tpu.dma_semaphore, #tpu.memory_space<semaphore_mem>>) src(%dma_wait3A_567 : memref<48x192xf32, #tpu.memory_space<hbm>>) dst(%arg6 : memref<48x192xf32, #tpu.memory_space<vmem>>)
      %add3A_568 = arith.addi %mul3A_2, %add3A_518 : i32
      %jit3A_569 = arith.constant 4 : i32
      %div3A_570 = arith.divsi %add3A_568, %jit3A_569 : i32
      %sign3A_571 = arith.constant 0 : i32
      %sign3A_572 = arith.cmpi sgt, %add3A_568, %sign3A_571 : i32
      %sign3A_573 = arith.extui %sign3A_572 : i1 to i32
      %sign3A_574 = arith.constant 0 : i32
      %sign3A_575 = arith.cmpi slt, %add3A_568, %sign3A_574 : i32
      %sign3A_576 = arith.extui %sign3A_575 : i1 to i32
      %sign3A_577 = arith.subi %sign3A_573, %sign3A_576 : i32
      %sign3A_578 = arith.constant 0 : i32
      %sign3A_579 = arith.cmpi sgt, %jit3A_569, %sign3A_578 : i32
      %sign3A_580 = arith.extui %sign3A_579 : i1 to i32
      %sign3A_581 = arith.constant 0 : i32
      %sign3A_582 = arith.cmpi slt, %jit3A_569, %sign3A_581 : i32
      %sign3A_583 = arith.extui %sign3A_582 : i1 to i32
      %sign3A_584 = arith.subi %sign3A_580, %sign3A_583 : i32
      %ne3A_585 = arith.cmpi ne, %sign3A_577, %sign3A_584 : i32
      %rem3A_586 = arith.remsi %add3A_568, %jit3A_569 : i32
      %ne3A_587 = arith.constant 0 : i32
      %ne3A_588 = arith.cmpi ne, %rem3A_586, %ne3A_587 : i32
      %and3A_589 = arith.andi %ne3A_585, %ne3A_588 : i1
      %sub3A_590 = arith.constant 1 : i32
      %sub3A_591 = arith.subi %div3A_570, %sub3A_590 : i32
      %select_n3A_592 = arith.select %and3A_589, %sub3A_591, %div3A_570 : i32
      %jit3A_593 = arith.constant 4 : i32
      %eq3A_594 = arith.constant 0 : i32
      %eq3A_595 = arith.cmpi eq, %jit3A_593, %eq3A_594 : i32
      %jit3A_596 = arith.constant 1 : i32
      %select_n3A_597 = arith.select %eq3A_595, %jit3A_596, %jit3A_593 : i32
      %rem3A_598 = arith.remsi %add3A_568, %select_n3A_597 : i32
      %ne3A_599 = arith.constant 0 : i32
      %ne3A_600 = arith.cmpi ne, %rem3A_598, %ne3A_599 : i32
      %lt3A_601 = arith.constant 0 : i32
      %lt3A_602 = arith.cmpi slt, %rem3A_598, %lt3A_601 : i32
      %lt3A_603 = arith.constant 0 : i32
      %lt3A_604 = arith.cmpi slt, %select_n3A_597, %lt3A_603 : i32
      %ne3A_605 = arith.xori %lt3A_602, %lt3A_604 : i1
      %and3A_606 = arith.andi %ne3A_605, %ne3A_600 : i1
      %add3A_607 = arith.addi %rem3A_598, %select_n3A_597 : i32
      %select_n3A_608 = arith.select %and3A_606, %add3A_607, %rem3A_598 : i32
      %mul3A_609 = arith.constant 48 : i32
      %mul3A_610 = arith.muli %select_n3A_608, %mul3A_609 : i32
      %dma_wait3A_611 = arith.constant 0 : i32
      %dma_wait3A_612 = tpu.memref_slice %arg3[%select_n3A_592, %mul3A_610, %dma_wait3A_611] : memref<384x192x192xi32, #tpu.memory_space<hbm>> -> memref<1x48x192xi32, #tpu.memory_space<hbm>>
      %dma_wait3A_613 = tpu.memref_squeeze %dma_wait3A_612 : memref<1x48x192xi32, #tpu.memory_space<hbm>> -> memref<48x192xi32, #tpu.memory_space<hbm>>
      %dma_wait3A_614 = arith.constant 0 : i32
      %dma_wait3A_615 = tpu.memref_slice %arg3[%select_n3A_592, %mul3A_610, %dma_wait3A_614] : memref<384x192x192xi32, #tpu.memory_space<hbm>> -> memref<1x48x192xi32, #tpu.memory_space<hbm>>
      %dma_wait3A_616 = tpu.memref_squeeze %dma_wait3A_615 : memref<1x48x192xi32, #tpu.memory_space<hbm>> -> memref<48x192xi32, #tpu.memory_space<hbm>>
      tpu.wait_dma2 semaphore(%arg14 : memref<!tpu.dma_semaphore, #tpu.memory_space<semaphore_mem>>) src(%dma_wait3A_616 : memref<48x192xi32, #tpu.memory_space<hbm>>) dst(%arg8 : memref<48x192xi32, #tpu.memory_space<vmem>>)
      %ge3A_617 = arith.constant 2 : i32
      %ge3A_618 = arith.cmpi sge, %add3A_518, %ge3A_617 : i32
      %convert_element_type3A_619 = arith.extui %ge3A_618 : i1 to i32
      %cond3A_620 = arith.constant 0 : i32
      %cond3A_621 = arith.cmpi ne, %convert_element_type3A_619, %cond3A_620 : i32
      scf.if %cond3A_621 {
        %sub3A_730 = arith.constant 2 : i32
        %sub3A_731 = arith.subi %add3A_518, %sub3A_730 : i32
        %add3A_732 = arith.addi %mul3A_2, %sub3A_731 : i32
        %jit3A_733 = arith.constant 4 : i32
        %div3A_734 = arith.divsi %add3A_732, %jit3A_733 : i32
        %sign3A_735 = arith.constant 0 : i32
        %sign3A_736 = arith.cmpi sgt, %add3A_732, %sign3A_735 : i32
        %sign3A_737 = arith.extui %sign3A_736 : i1 to i32
        %sign3A_738 = arith.constant 0 : i32
        %sign3A_739 = arith.cmpi slt, %add3A_732, %sign3A_738 : i32
        %sign3A_740 = arith.extui %sign3A_739 : i1 to i32
        %sign3A_741 = arith.subi %sign3A_737, %sign3A_740 : i32
        %sign3A_742 = arith.constant 0 : i32
        %sign3A_743 = arith.cmpi sgt, %jit3A_733, %sign3A_742 : i32
        %sign3A_744 = arith.extui %sign3A_743 : i1 to i32
        %sign3A_745 = arith.constant 0 : i32
        %sign3A_746 = arith.cmpi slt, %jit3A_733, %sign3A_745 : i32
        %sign3A_747 = arith.extui %sign3A_746 : i1 to i32
        %sign3A_748 = arith.subi %sign3A_744, %sign3A_747 : i32
        %ne3A_749 = arith.cmpi ne, %sign3A_741, %sign3A_748 : i32
        %rem3A_750 = arith.remsi %add3A_732, %jit3A_733 : i32
        %ne3A_751 = arith.constant 0 : i32
        %ne3A_752 = arith.cmpi ne, %rem3A_750, %ne3A_751 : i32
        %and3A_753 = arith.andi %ne3A_749, %ne3A_752 : i1
        %sub3A_754 = arith.constant 1 : i32
        %sub3A_755 = arith.subi %div3A_734, %sub3A_754 : i32
        %select_n3A_756 = arith.select %and3A_753, %sub3A_755, %div3A_734 : i32
        %jit3A_757 = arith.constant 4 : i32
        %eq3A_758 = arith.constant 0 : i32
        %eq3A_759 = arith.cmpi eq, %jit3A_757, %eq3A_758 : i32
        %jit3A_760 = arith.constant 1 : i32
        %select_n3A_761 = arith.select %eq3A_759, %jit3A_760, %jit3A_757 : i32
        %rem3A_762 = arith.remsi %add3A_732, %select_n3A_761 : i32
        %ne3A_763 = arith.constant 0 : i32
        %ne3A_764 = arith.cmpi ne, %rem3A_762, %ne3A_763 : i32
        %lt3A_765 = arith.constant 0 : i32
        %lt3A_766 = arith.cmpi slt, %rem3A_762, %lt3A_765 : i32
        %lt3A_767 = arith.constant 0 : i32
        %lt3A_768 = arith.cmpi slt, %select_n3A_761, %lt3A_767 : i32
        %ne3A_769 = arith.xori %lt3A_766, %lt3A_768 : i1
        %and3A_770 = arith.andi %ne3A_769, %ne3A_764 : i1
        %add3A_771 = arith.addi %rem3A_762, %select_n3A_761 : i32
        %select_n3A_772 = arith.select %and3A_770, %add3A_771, %rem3A_762 : i32
        %mul3A_773 = arith.constant 2 : i32
        %mul3A_774 = arith.muli %select_n3A_772, %mul3A_773 : i32
        %mul3A_775 = arith.constant 48 : i32
        %mul3A_776 = arith.muli %mul3A_774, %mul3A_775 : i32
        %dma_wait3A_777 = arith.constant 0 : i32
        %dma_wait3A_778 = tpu.memref_slice %arg4[%select_n3A_756, %mul3A_776, %dma_wait3A_777] : memref<384x384x384xf32, #tpu.memory_space<hbm>> -> memref<1x96x384xf32, #tpu.memory_space<hbm>>
        %dma_wait3A_779 = tpu.memref_squeeze %dma_wait3A_778 : memref<1x96x384xf32, #tpu.memory_space<hbm>> -> memref<96x384xf32, #tpu.memory_space<hbm>>
        %dma_wait3A_780 = arith.constant 0 : i32
        %dma_wait3A_781 = tpu.memref_slice %arg4[%select_n3A_756, %mul3A_776, %dma_wait3A_780] : memref<384x384x384xf32, #tpu.memory_space<hbm>> -> memref<1x96x384xf32, #tpu.memory_space<hbm>>
        %dma_wait3A_782 = tpu.memref_squeeze %dma_wait3A_781 : memref<1x96x384xf32, #tpu.memory_space<hbm>> -> memref<96x384xf32, #tpu.memory_space<hbm>>
        tpu.wait_dma2 semaphore(%arg16 : memref<!tpu.dma_semaphore, #tpu.memory_space<semaphore_mem>>) src(%arg10 : memref<96x384xf32, #tpu.memory_space<vmem>>) dst(%dma_wait3A_782 : memref<96x384xf32, #tpu.memory_space<hbm>>)
      } else {
      }
      %parallel_loop3A_622 = arith.constant 0 : i32
      %parallel_loop3A_623 = arith.constant 96 : i32
      %parallel_loop3A_624 = arith.constant 1 : i32
      scf.for %parallel_loop3A_730 = %parallel_loop3A_622 to %parallel_loop3A_623 step %parallel_loop3A_624  : i32 {
        %parallel_loop3A_731 = arith.constant 0 : i32
        %parallel_loop3A_732 = arith.constant 384 : i32
        %parallel_loop3A_733 = arith.constant 16 : i32
        scf.for %parallel_loop3A_734 = %parallel_loop3A_731 to %parallel_loop3A_732 step %parallel_loop3A_733  : i32 {
          %parallel_loop3A_735 = arith.index_cast %parallel_loop3A_730 : i32 to index
          %parallel_loop3A_736 = arith.index_cast %parallel_loop3A_734 : i32 to index
          %parallel_loop3A_737 = tpu.vector_load %arg10[%parallel_loop3A_735, %parallel_loop3A_736] {strides = array<i32>} : memref<96x384xf32, #tpu.memory_space<vmem>>, vector<16xf32>,
          tpu.vector_store %arg10[%parallel_loop3A_735, %parallel_loop3A_736], %broadcast_in_dim3A_3 {strides = array<i32>} : memref<96x384xf32, #tpu.memory_space<vmem>>, vector<16xf32>,
        } {sc.loop_unroll_factor = 8 : i64, sc.parallel_access}
      } {sc.loop_unroll_factor = 4 : i64, sc.parallel_access}
      %add3A_625 = arith.addi %mul3A_2, %add3A_518 : i32
      %jit3A_626 = arith.constant 4 : i32
      %div3A_627 = arith.divsi %add3A_625, %jit3A_626 : i32
      %sign3A_628 = arith.constant 0 : i32
      %sign3A_629 = arith.cmpi sgt, %add3A_625, %sign3A_628 : i32
      %sign3A_630 = arith.extui %sign3A_629 : i1 to i32
      %sign3A_631 = arith.constant 0 : i32
      %sign3A_632 = arith.cmpi slt, %add3A_625, %sign3A_631 : i32
      %sign3A_633 = arith.extui %sign3A_632 : i1 to i32
      %sign3A_634 = arith.subi %sign3A_630, %sign3A_633 : i32
      %sign3A_635 = arith.constant 0 : i32
      %sign3A_636 = arith.cmpi sgt, %jit3A_626, %sign3A_635 : i32
      %sign3A_637 = arith.extui %sign3A_636 : i1 to i32
      %sign3A_638 = arith.constant 0 : i32
      %sign3A_639 = arith.cmpi slt, %jit3A_626, %sign3A_638 : i32
      %sign3A_640 = arith.extui %sign3A_639 : i1 to i32
      %sign3A_641 = arith.subi %sign3A_637, %sign3A_640 : i32
      %ne3A_642 = arith.cmpi ne, %sign3A_634, %sign3A_641 : i32
      %rem3A_643 = arith.remsi %add3A_625, %jit3A_626 : i32
      %ne3A_644 = arith.constant 0 : i32
      %ne3A_645 = arith.cmpi ne, %rem3A_643, %ne3A_644 : i32
      %and3A_646 = arith.andi %ne3A_642, %ne3A_645 : i1
      %sub3A_647 = arith.constant 1 : i32
      %sub3A_648 = arith.subi %div3A_627, %sub3A_647 : i32
      %select_n3A_649 = arith.select %and3A_646, %sub3A_648, %div3A_627 : i32
      %jit3A_650 = arith.constant 4 : i32
      %eq3A_651 = arith.constant 0 : i32
      %eq3A_652 = arith.cmpi eq, %jit3A_650, %eq3A_651 : i32
      %jit3A_653 = arith.constant 1 : i32
      %select_n3A_654 = arith.select %eq3A_652, %jit3A_653, %jit3A_650 : i32
      %rem3A_655 = arith.remsi %add3A_625, %select_n3A_654 : i32
      %ne3A_656 = arith.constant 0 : i32
      %ne3A_657 = arith.cmpi ne, %rem3A_655, %ne3A_656 : i32
      %lt3A_658 = arith.constant 0 : i32
      %lt3A_659 = arith.cmpi slt, %rem3A_655, %lt3A_658 : i32
      %lt3A_660 = arith.constant 0 : i32
      %lt3A_661 = arith.cmpi slt, %select_n3A_654, %lt3A_660 : i32
      %ne3A_662 = arith.xori %lt3A_659, %lt3A_661 : i1
      %and3A_663 = arith.andi %ne3A_662, %ne3A_657 : i1
      %add3A_664 = arith.addi %rem3A_655, %select_n3A_654 : i32
      %select_n3A_665 = arith.select %and3A_663, %add3A_664, %rem3A_655 : i32
      %mul3A_666 = arith.constant 48 : i32
      %mul3A_667 = arith.muli %select_n3A_665, %mul3A_666 : i32
      %parallel_loop3A_668 = arith.constant 0 : i32
      %parallel_loop3A_669 = arith.constant 48 : i32
      %parallel_loop3A_670 = arith.constant 1 : i32
      scf.for %parallel_loop3A_730 = %parallel_loop3A_668 to %parallel_loop3A_669 step %parallel_loop3A_670  : i32 {
        %parallel_loop3A_731 = arith.addi %mul3A_667, %parallel_loop3A_730 : i32
        %parallel_loop3A_732 = arith.constant 2 : i32
        %parallel_loop3A_733 = arith.muli %parallel_loop3A_732, %parallel_loop3A_731 : i32
        %parallel_loop3A_734 = arith.constant 384 : i32
        %parallel_loop3A_735 = arith.muli %parallel_loop3A_733, %parallel_loop3A_734 : i32
        %parallel_loop3A_736 = arith.constant 0 : i32
        %parallel_loop3A_737 = arith.constant 192 : i32
        %parallel_loop3A_738 = arith.constant 16 : i32
        scf.for %parallel_loop3A_739 = %parallel_loop3A_736 to %parallel_loop3A_737 step %parallel_loop3A_738  : i32 {
          %parallel_loop3A_740 = arith.index_cast %parallel_loop3A_730 : i32 to index
          %parallel_loop3A_741 = arith.index_cast %parallel_loop3A_739 : i32 to index
          %parallel_loop3A_742 = tpu.vector_load %arg6[%parallel_loop3A_740, %parallel_loop3A_741] {strides = array<i32>} : memref<48x192xf32, #tpu.memory_space<vmem>>, vector<16xf32>,
          %parallel_loop3A_743 = arith.index_cast %parallel_loop3A_730 : i32 to index
          %parallel_loop3A_744 = arith.index_cast %parallel_loop3A_739 : i32 to index
          %parallel_loop3A_745 = tpu.vector_load %arg8[%parallel_loop3A_743, %parallel_loop3A_744] {strides = array<i32>} : memref<48x192xi32, #tpu.memory_space<vmem>>, vector<16xi32>,
          %parallel_loop3A_746 = arith.constant 2 : i32
          %parallel_loop3A_747 = arith.muli %parallel_loop3A_746, %parallel_loop3A_739 : i32
          %parallel_loop3A_748 = vector.broadcast %parallel_loop3A_747 : i32 to vector<16xi32>
          %parallel_loop3A_749 = arith.addi %parallel_loop3A_748, %mul3A_6 : vector<16xi32>
          %parallel_loop3A_750 = vector.broadcast %parallel_loop3A_735 : i32 to vector<16xi32>
          %parallel_loop3A_751 = arith.addi %parallel_loop3A_750, %parallel_loop3A_749 : vector<16xi32>
          %parallel_loop3A_752 = arith.subi %parallel_loop3A_745, %parallel_loop3A_751 : vector<16xi32>
          %parallel_loop3A_753 = arith.constant 7 : i32
          %parallel_loop3A_754 = vector.broadcast %parallel_loop3A_753 : i32 to vector<16xi32>
          %parallel_loop3A_755 = arith.shrsi %parallel_loop3A_752, %parallel_loop3A_754 : vector<16xi32>
          %parallel_loop3A_756 = arith.constant 1 : i32
          %parallel_loop3A_757 = vector.broadcast %parallel_loop3A_756 : i32 to vector<16xi32>
          %parallel_loop3A_758 = arith.andi %parallel_loop3A_755, %parallel_loop3A_757 : vector<16xi32>
          %parallel_loop3A_759 = arith.constant 1 : i32
          %parallel_loop3A_760 = vector.broadcast %parallel_loop3A_759 : i32 to vector<16xi32>
          %parallel_loop3A_761 = arith.andi %parallel_loop3A_752, %parallel_loop3A_760 : vector<16xi32>
          %parallel_loop3A_762 = arith.constant 2 : i32
          %parallel_loop3A_763 = arith.muli %parallel_loop3A_762, %parallel_loop3A_730 : i32
          %parallel_loop3A_764 = vector.broadcast %parallel_loop3A_763 : i32 to vector<16xi32>
          %parallel_loop3A_765 = arith.addi %parallel_loop3A_764, %parallel_loop3A_758 : vector<16xi32>
          %parallel_loop3A_766 = arith.addi %parallel_loop3A_749, %parallel_loop3A_761 : vector<16xi32>
          tpu.vector_store_idx %arg10[%parallel_loop3A_765, %parallel_loop3A_766], %parallel_loop3A_742 : memref<96x384xf32, #tpu.memory_space<vmem>>[vector<16xi32>, vector<16xi32>], vector<16xf32>,
        } {sc.loop_unroll_factor = 6 : i64, sc.parallel_access}
      } {sc.loop_unroll_factor = 1 : i64, sc.parallel_access}
      %add3A_671 = arith.addi %mul3A_2, %add3A_518 : i32
      %jit3A_672 = arith.constant 4 : i32
      %div3A_673 = arith.divsi %add3A_671, %jit3A_672 : i32
      %sign3A_674 = arith.constant 0 : i32
      %sign3A_675 = arith.cmpi sgt, %add3A_671, %sign3A_674 : i32
      %sign3A_676 = arith.extui %sign3A_675 : i1 to i32
      %sign3A_677 = arith.constant 0 : i32
      %sign3A_678 = arith.cmpi slt, %add3A_671, %sign3A_677 : i32
      %sign3A_679 = arith.extui %sign3A_678 : i1 to i32
      %sign3A_680 = arith.subi %sign3A_676, %sign3A_679 : i32
      %sign3A_681 = arith.constant 0 : i32
      %sign3A_682 = arith.cmpi sgt, %jit3A_672, %sign3A_681 : i32
      %sign3A_683 = arith.extui %sign3A_682 : i1 to i32
      %sign3A_684 = arith.constant 0 : i32
      %sign3A_685 = arith.cmpi slt, %jit3A_672, %sign3A_684 : i32
      %sign3A_686 = arith.extui %sign3A_685 : i1 to i32
      %sign3A_687 = arith.subi %sign3A_683, %sign3A_686 : i32
      %ne3A_688 = arith.cmpi ne, %sign3A_680, %sign3A_687 : i32
      %rem3A_689 = arith.remsi %add3A_671, %jit3A_672 : i32
      %ne3A_690 = arith.constant 0 : i32
      %ne3A_691 = arith.cmpi ne, %rem3A_689, %ne3A_690 : i32
      %and3A_692 = arith.andi %ne3A_688, %ne3A_691 : i1
      %sub3A_693 = arith.constant 1 : i32
      %sub3A_694 = arith.subi %div3A_673, %sub3A_693 : i32
      %select_n3A_695 = arith.select %and3A_692, %sub3A_694, %div3A_673 : i32
      %jit3A_696 = arith.constant 4 : i32
      %eq3A_697 = arith.constant 0 : i32
      %eq3A_698 = arith.cmpi eq, %jit3A_696, %eq3A_697 : i32
      %jit3A_699 = arith.constant 1 : i32
      %select_n3A_700 = arith.select %eq3A_698, %jit3A_699, %jit3A_696 : i32
      %rem3A_701 = arith.remsi %add3A_671, %select_n3A_700 : i32
      %ne3A_702 = arith.constant 0 : i32
      %ne3A_703 = arith.cmpi ne, %rem3A_701, %ne3A_702 : i32
      %lt3A_704 = arith.constant 0 : i32
      %lt3A_705 = arith.cmpi slt, %rem3A_701, %lt3A_704 : i32
      %lt3A_706 = arith.constant 0 : i32
      %lt3A_707 = arith.cmpi slt, %select_n3A_700, %lt3A_706 : i32
      %ne3A_708 = arith.xori %lt3A_705, %lt3A_707 : i1
      %and3A_709 = arith.andi %ne3A_708, %ne3A_703 : i1
      %add3A_710 = arith.addi %rem3A_701, %select_n3A_700 : i32
      %select_n3A_711 = arith.select %and3A_709, %add3A_710, %rem3A_701 : i32
      %mul3A_712 = arith.constant 2 : i32
      %mul3A_713 = arith.muli %select_n3A_711, %mul3A_712 : i32
      %mul3A_714 = arith.constant 48 : i32
      %mul3A_715 = arith.muli %mul3A_713, %mul3A_714 : i32
      %dma_start3A_716 = arith.constant 0 : i32
      %dma_start3A_717 = tpu.memref_slice %arg4[%select_n3A_695, %mul3A_715, %dma_start3A_716] : memref<384x384x384xf32, #tpu.memory_space<hbm>> -> memref<1x96x384xf32, #tpu.memory_space<hbm>>
      %dma_start3A_718 = tpu.memref_squeeze %dma_start3A_717 : memref<1x96x384xf32, #tpu.memory_space<hbm>> -> memref<96x384xf32, #tpu.memory_space<hbm>>
      %dma_start3A_719 = arith.constant 0 : i32
      %dma_start3A_720 = tpu.memref_slice %arg4[%select_n3A_695, %mul3A_715, %dma_start3A_719] : memref<384x384x384xf32, #tpu.memory_space<hbm>> -> memref<1x96x384xf32, #tpu.memory_space<hbm>>
      %dma_start3A_721 = tpu.memref_squeeze %dma_start3A_720 : memref<1x96x384xf32, #tpu.memory_space<hbm>> -> memref<96x384xf32, #tpu.memory_space<hbm>>
      tpu.enqueue_dma source(%arg10 : memref<96x384xf32, #tpu.memory_space<vmem>>) target(%dma_start3A_721 : memref<96x384xf32, #tpu.memory_space<hbm>>) target_semaphore(%arg16 : memref<!tpu.dma_semaphore, #tpu.memory_space<semaphore_mem>>)
      %add3A_722 = arith.constant 2 : i32
      %add3A_723 = arith.addi %add3A_518, %add3A_722 : i32
      %lt3A_724 = arith.constant 48 : i32
      %lt3A_725 = arith.cmpi slt, %add3A_723, %lt3A_724 : i32
      %convert_element_type3A_726 = arith.extui %lt3A_725 : i1 to i32
      %cond3A_727 = arith.constant 0 : i32
      %cond3A_728 = arith.cmpi ne, %convert_element_type3A_726, %cond3A_727 : i32
      scf.if %cond3A_728 {
        %add3A_730 = arith.constant 2 : i32
        %add3A_731 = arith.addi %add3A_518, %add3A_730 : i32
        %add3A_732 = arith.addi %mul3A_2, %add3A_731 : i32
        %jit3A_733 = arith.constant 4 : i32
        %div3A_734 = arith.divsi %add3A_732, %jit3A_733 : i32
        %sign3A_735 = arith.constant 0 : i32
        %sign3A_736 = arith.cmpi sgt, %add3A_732, %sign3A_735 : i32
        %sign3A_737 = arith.extui %sign3A_736 : i1 to i32
        %sign3A_738 = arith.constant 0 : i32
        %sign3A_739 = arith.cmpi slt, %add3A_732, %sign3A_738 : i32
        %sign3A_740 = arith.extui %sign3A_739 : i1 to i32
        %sign3A_741 = arith.subi %sign3A_737, %sign3A_740 : i32
        %sign3A_742 = arith.constant 0 : i32
        %sign3A_743 = arith.cmpi sgt, %jit3A_733, %sign3A_742 : i32
        %sign3A_744 = arith.extui %sign3A_743 : i1 to i32
        %sign3A_745 = arith.constant 0 : i32
        %sign3A_746 = arith.cmpi slt, %jit3A_733, %sign3A_745 : i32
        %sign3A_747 = arith.extui %sign3A_746 : i1 to i32
        %sign3A_748 = arith.subi %sign3A_744, %sign3A_747 : i32
        %ne3A_749 = arith.cmpi ne, %sign3A_741, %sign3A_748 : i32
        %rem3A_750 = arith.remsi %add3A_732, %jit3A_733 : i32
        %ne3A_751 = arith.constant 0 : i32
        %ne3A_752 = arith.cmpi ne, %rem3A_750, %ne3A_751 : i32
        %and3A_753 = arith.andi %ne3A_749, %ne3A_752 : i1
        %sub3A_754 = arith.constant 1 : i32
        %sub3A_755 = arith.subi %div3A_734, %sub3A_754 : i32
        %select_n3A_756 = arith.select %and3A_753, %sub3A_755, %div3A_734 : i32
        %jit3A_757 = arith.constant 4 : i32
        %eq3A_758 = arith.constant 0 : i32
        %eq3A_759 = arith.cmpi eq, %jit3A_757, %eq3A_758 : i32
        %jit3A_760 = arith.constant 1 : i32
        %select_n3A_761 = arith.select %eq3A_759, %jit3A_760, %jit3A_757 : i32
        %rem3A_762 = arith.remsi %add3A_732, %select_n3A_761 : i32
        %ne3A_763 = arith.constant 0 : i32
        %ne3A_764 = arith.cmpi ne, %rem3A_762, %ne3A_763 : i32
        %lt3A_765 = arith.constant 0 : i32
        %lt3A_766 = arith.cmpi slt, %rem3A_762, %lt3A_765 : i32
        %lt3A_767 = arith.constant 0 : i32
        %lt3A_768 = arith.cmpi slt, %select_n3A_761, %lt3A_767 : i32
        %ne3A_769 = arith.xori %lt3A_766, %lt3A_768 : i1
        %and3A_770 = arith.andi %ne3A_769, %ne3A_764 : i1
        %add3A_771 = arith.addi %rem3A_762, %select_n3A_761 : i32
        %select_n3A_772 = arith.select %and3A_770, %add3A_771, %rem3A_762 : i32
        %mul3A_773 = arith.constant 48 : i32
        %mul3A_774 = arith.muli %select_n3A_772, %mul3A_773 : i32
        %dma_start3A_775 = arith.constant 0 : i32
        %dma_start3A_776 = tpu.memref_slice %arg2[%select_n3A_756, %mul3A_774, %dma_start3A_775] : memref<384x192x192xf32, #tpu.memory_space<hbm>> -> memref<1x48x192xf32, #tpu.memory_space<hbm>>
        %dma_start3A_777 = tpu.memref_squeeze %dma_start3A_776 : memref<1x48x192xf32, #tpu.memory_space<hbm>> -> memref<48x192xf32, #tpu.memory_space<hbm>>
        %dma_start3A_778 = arith.constant 0 : i32
        %dma_start3A_779 = tpu.memref_slice %arg2[%select_n3A_756, %mul3A_774, %dma_start3A_778] : memref<384x192x192xf32, #tpu.memory_space<hbm>> -> memref<1x48x192xf32, #tpu.memory_space<hbm>>
        %dma_start3A_780 = tpu.memref_squeeze %dma_start3A_779 : memref<1x48x192xf32, #tpu.memory_space<hbm>> -> memref<48x192xf32, #tpu.memory_space<hbm>>
        tpu.enqueue_dma source(%dma_start3A_780 : memref<48x192xf32, #tpu.memory_space<hbm>>) target(%arg6 : memref<48x192xf32, #tpu.memory_space<vmem>>) target_semaphore(%arg12 : memref<!tpu.dma_semaphore, #tpu.memory_space<semaphore_mem>>)
        %add3A_781 = arith.constant 2 : i32
        %add3A_782 = arith.addi %add3A_518, %add3A_781 : i32
        %add3A_783 = arith.addi %mul3A_2, %add3A_782 : i32
        %jit3A_784 = arith.constant 4 : i32
        %div3A_785 = arith.divsi %add3A_783, %jit3A_784 : i32
        %sign3A_786 = arith.constant 0 : i32
        %sign3A_787 = arith.cmpi sgt, %add3A_783, %sign3A_786 : i32
        %sign3A_788 = arith.extui %sign3A_787 : i1 to i32
        %sign3A_789 = arith.constant 0 : i32
        %sign3A_790 = arith.cmpi slt, %add3A_783, %sign3A_789 : i32
        %sign3A_791 = arith.extui %sign3A_790 : i1 to i32
        %sign3A_792 = arith.subi %sign3A_788, %sign3A_791 : i32
        %sign3A_793 = arith.constant 0 : i32
        %sign3A_794 = arith.cmpi sgt, %jit3A_784, %sign3A_793 : i32
        %sign3A_795 = arith.extui %sign3A_794 : i1 to i32
        %sign3A_796 = arith.constant 0 : i32
        %sign3A_797 = arith.cmpi slt, %jit3A_784, %sign3A_796 : i32
        %sign3A_798 = arith.extui %sign3A_797 : i1 to i32
        %sign3A_799 = arith.subi %sign3A_795, %sign3A_798 : i32
        %ne3A_800 = arith.cmpi ne, %sign3A_792, %sign3A_799 : i32
        %rem3A_801 = arith.remsi %add3A_783, %jit3A_784 : i32
        %ne3A_802 = arith.constant 0 : i32
        %ne3A_803 = arith.cmpi ne, %rem3A_801, %ne3A_802 : i32
        %and3A_804 = arith.andi %ne3A_800, %ne3A_803 : i1
        %sub3A_805 = arith.constant 1 : i32
        %sub3A_806 = arith.subi %div3A_785, %sub3A_805 : i32
        %select_n3A_807 = arith.select %and3A_804, %sub3A_806, %div3A_785 : i32
        %jit3A_808 = arith.constant 4 : i32
        %eq3A_809 = arith.constant 0 : i32
        %eq3A_810 = arith.cmpi eq, %jit3A_808, %eq3A_809 : i32
        %jit3A_811 = arith.constant 1 : i32
        %select_n3A_812 = arith.select %eq3A_810, %jit3A_811, %jit3A_808 : i32
        %rem3A_813 = arith.remsi %add3A_783, %select_n3A_812 : i32
        %ne3A_814 = arith.constant 0 : i32
        %ne3A_815 = arith.cmpi ne, %rem3A_813, %ne3A_814 : i32
        %lt3A_816 = arith.constant 0 : i32
        %lt3A_817 = arith.cmpi slt, %rem3A_813, %lt3A_816 : i32
        %lt3A_818 = arith.constant 0 : i32
        %lt3A_819 = arith.cmpi slt, %select_n3A_812, %lt3A_818 : i32
        %ne3A_820 = arith.xori %lt3A_817, %lt3A_819 : i1
        %and3A_821 = arith.andi %ne3A_820, %ne3A_815 : i1
        %add3A_822 = arith.addi %rem3A_813, %select_n3A_812 : i32
        %select_n3A_823 = arith.select %and3A_821, %add3A_822, %rem3A_813 : i32
        %mul3A_824 = arith.constant 48 : i32
        %mul3A_825 = arith.muli %select_n3A_823, %mul3A_824 : i32
        %dma_start3A_826 = arith.constant 0 : i32
        %dma_start3A_827 = tpu.memref_slice %arg3[%select_n3A_807, %mul3A_825, %dma_start3A_826] : memref<384x192x192xi32, #tpu.memory_space<hbm>> -> memref<1x48x192xi32, #tpu.memory_space<hbm>>
        %dma_start3A_828 = tpu.memref_squeeze %dma_start3A_827 : memref<1x48x192xi32, #tpu.memory_space<hbm>> -> memref<48x192xi32, #tpu.memory_space<hbm>>
        %dma_start3A_829 = arith.constant 0 : i32
        %dma_start3A_830 = tpu.memref_slice %arg3[%select_n3A_807, %mul3A_825, %dma_start3A_829] : memref<384x192x192xi32, #tpu.memory_space<hbm>> -> memref<1x48x192xi32, #tpu.memory_space<hbm>>
        %dma_start3A_831 = tpu.memref_squeeze %dma_start3A_830 : memref<1x48x192xi32, #tpu.memory_space<hbm>> -> memref<48x192xi32, #tpu.memory_space<hbm>>
        tpu.enqueue_dma source(%dma_start3A_831 : memref<48x192xi32, #tpu.memory_space<hbm>>) target(%arg8 : memref<48x192xi32, #tpu.memory_space<vmem>>) target_semaphore(%arg14 : memref<!tpu.dma_semaphore, #tpu.memory_space<semaphore_mem>>)
      } else {
      }
      %scan3A_729 = arith.constant 0 : i32
      scf.yield %scan3A_729 : i32
    }
    %scan3A_201 = arith.constant 24 : i32
    %add3A_202 = arith.constant 46 : i32
    %add3A_203 = arith.addi %mul3A_2, %add3A_202 : i32
    %jit3A_204 = arith.constant 4 : i32
    %div3A_205 = arith.divsi %add3A_203, %jit3A_204 : i32
    %sign3A_206 = arith.constant 0 : i32
    %sign3A_207 = arith.cmpi sgt, %add3A_203, %sign3A_206 : i32
    %sign3A_208 = arith.extui %sign3A_207 : i1 to i32
    %sign3A_209 = arith.constant 0 : i32
    %sign3A_210 = arith.cmpi slt, %add3A_203, %sign3A_209 : i32
    %sign3A_211 = arith.extui %sign3A_210 : i1 to i32
    %sign3A_212 = arith.subi %sign3A_208, %sign3A_211 : i32
    %sign3A_213 = arith.constant 0 : i32
    %sign3A_214 = arith.cmpi sgt, %jit3A_204, %sign3A_213 : i32
    %sign3A_215 = arith.extui %sign3A_214 : i1 to i32
    %sign3A_216 = arith.constant 0 : i32
    %sign3A_217 = arith.cmpi slt, %jit3A_204, %sign3A_216 : i32
    %sign3A_218 = arith.extui %sign3A_217 : i1 to i32
    %sign3A_219 = arith.subi %sign3A_215, %sign3A_218 : i32
    %ne3A_220 = arith.cmpi ne, %sign3A_212, %sign3A_219 : i32
    %rem3A_221 = arith.remsi %add3A_203, %jit3A_204 : i32
    %ne3A_222 = arith.constant 0 : i32
    %ne3A_223 = arith.cmpi ne, %rem3A_221, %ne3A_222 : i32
    %and3A_224 = arith.andi %ne3A_220, %ne3A_223 : i1
    %sub3A_225 = arith.constant 1 : i32
    %sub3A_226 = arith.subi %div3A_205, %sub3A_225 : i32
    %select_n3A_227 = arith.select %and3A_224, %sub3A_226, %div3A_205 : i32
    %jit3A_228 = arith.constant 4 : i32
    %eq3A_229 = arith.constant 0 : i32
    %eq3A_230 = arith.cmpi eq, %jit3A_228, %eq3A_229 : i32
    %jit3A_231 = arith.constant 1 : i32
    %select_n3A_232 = arith.select %eq3A_230, %jit3A_231, %jit3A_228 : i32
    %rem3A_233 = arith.remsi %add3A_203, %select_n3A_232 : i32
    %ne3A_234 = arith.constant 0 : i32
    %ne3A_235 = arith.cmpi ne, %rem3A_233, %ne3A_234 : i32
    %lt3A_236 = arith.constant 0 : i32
    %lt3A_237 = arith.cmpi slt, %rem3A_233, %lt3A_236 : i32
    %lt3A_238 = arith.constant 0 : i32
    %lt3A_239 = arith.cmpi slt, %select_n3A_232, %lt3A_238 : i32
    %ne3A_240 = arith.xori %lt3A_237, %lt3A_239 : i1
    %and3A_241 = arith.andi %ne3A_240, %ne3A_235 : i1
    %add3A_242 = arith.addi %rem3A_233, %select_n3A_232 : i32
    %select_n3A_243 = arith.select %and3A_241, %add3A_242, %rem3A_233 : i32
    %mul3A_244 = arith.constant 2 : i32
    %mul3A_245 = arith.muli %select_n3A_243, %mul3A_244 : i32
    %mul3A_246 = arith.constant 48 : i32
    %mul3A_247 = arith.muli %mul3A_245, %mul3A_246 : i32
    %dma_wait3A = arith.constant 0 : i32
    %dma_wait3A_248 = tpu.memref_slice %arg4[%select_n3A_227, %mul3A_247, %dma_wait3A] : memref<384x384x384xf32, #tpu.memory_space<hbm>> -> memref<1x96x384xf32, #tpu.memory_space<hbm>>
    %dma_wait3A_249 = tpu.memref_squeeze %dma_wait3A_248 : memref<1x96x384xf32, #tpu.memory_space<hbm>> -> memref<96x384xf32, #tpu.memory_space<hbm>>
    %dma_wait3A_250 = arith.constant 0 : i32
    %dma_wait3A_251 = tpu.memref_slice %arg4[%select_n3A_227, %mul3A_247, %dma_wait3A_250] : memref<384x384x384xf32, #tpu.memory_space<hbm>> -> memref<1x96x384xf32, #tpu.memory_space<hbm>>
    %dma_wait3A_252 = tpu.memref_squeeze %dma_wait3A_251 : memref<1x96x384xf32, #tpu.memory_space<hbm>> -> memref<96x384xf32, #tpu.memory_space<hbm>>
    tpu.wait_dma2 semaphore(%arg15 : memref<!tpu.dma_semaphore, #tpu.memory_space<semaphore_mem>>) src(%arg9 : memref<96x384xf32, #tpu.memory_space<vmem>>) dst(%dma_wait3A_252 : memref<96x384xf32, #tpu.memory_space<hbm>>)
    %add3A_253 = arith.constant 47 : i32
    %add3A_254 = arith.addi %mul3A_2, %add3A_253 : i32
    %jit3A_255 = arith.constant 4 : i32
    %div3A_256 = arith.divsi %add3A_254, %jit3A_255 : i32
    %sign3A_257 = arith.constant 0 : i32
    %sign3A_258 = arith.cmpi sgt, %add3A_254, %sign3A_257 : i32
    %sign3A_259 = arith.extui %sign3A_258 : i1 to i32
    %sign3A_260 = arith.constant 0 : i32
    %sign3A_261 = arith.cmpi slt, %add3A_254, %sign3A_260 : i32
    %sign3A_262 = arith.extui %sign3A_261 : i1 to i32
    %sign3A_263 = arith.subi %sign3A_259, %sign3A_262 : i32
    %sign3A_264 = arith.constant 0 : i32
    %sign3A_265 = arith.cmpi sgt, %jit3A_255, %sign3A_264 : i32
    %sign3A_266 = arith.extui %sign3A_265 : i1 to i32
    %sign3A_267 = arith.constant 0 : i32
    %sign3A_268 = arith.cmpi slt, %jit3A_255, %sign3A_267 : i32
    %sign3A_269 = arith.extui %sign3A_268 : i1 to i32
    %sign3A_270 = arith.subi %sign3A_266, %sign3A_269 : i32
    %ne3A_271 = arith.cmpi ne, %sign3A_263, %sign3A_270 : i32
    %rem3A_272 = arith.remsi %add3A_254, %jit3A_255 : i32
    %ne3A_273 = arith.constant 0 : i32
    %ne3A_274 = arith.cmpi ne, %rem3A_272, %ne3A_273 : i32
    %and3A_275 = arith.andi %ne3A_271, %ne3A_274 : i1
    %sub3A_276 = arith.constant 1 : i32
    %sub3A_277 = arith.subi %div3A_256, %sub3A_276 : i32
    %select_n3A_278 = arith.select %and3A_275, %sub3A_277, %div3A_256 : i32
    %jit3A_279 = arith.constant 4 : i32
    %eq3A_280 = arith.constant 0 : i32
    %eq3A_281 = arith.cmpi eq, %jit3A_279, %eq3A_280 : i32
    %jit3A_282 = arith.constant 1 : i32
    %select_n3A_283 = arith.select %eq3A_281, %jit3A_282, %jit3A_279 : i32
    %rem3A_284 = arith.remsi %add3A_254, %select_n3A_283 : i32
    %ne3A_285 = arith.constant 0 : i32
    %ne3A_286 = arith.cmpi ne, %rem3A_284, %ne3A_285 : i32
    %lt3A_287 = arith.constant 0 : i32
    %lt3A_288 = arith.cmpi slt, %rem3A_284, %lt3A_287 : i32
    %lt3A_289 = arith.constant 0 : i32
    %lt3A_290 = arith.cmpi slt, %select_n3A_283, %lt3A_289 : i32
    %ne3A_291 = arith.xori %lt3A_288, %lt3A_290 : i1
    %and3A_292 = arith.andi %ne3A_291, %ne3A_286 : i1
    %add3A_293 = arith.addi %rem3A_284, %select_n3A_283 : i32
    %select_n3A_294 = arith.select %and3A_292, %add3A_293, %rem3A_284 : i32
    %mul3A_295 = arith.constant 2 : i32
    %mul3A_296 = arith.muli %select_n3A_294, %mul3A_295 : i32
    %mul3A_297 = arith.constant 48 : i32
    %mul3A_298 = arith.muli %mul3A_296, %mul3A_297 : i32
    %dma_wait3A_299 = arith.constant 0 : i32
    %dma_wait3A_300 = tpu.memref_slice %arg4[%select_n3A_278, %mul3A_298, %dma_wait3A_299] : memref<384x384x384xf32, #tpu.memory_space<hbm>> -> memref<1x96x384xf32, #tpu.memory_space<hbm>>
    %dma_wait3A_301 = tpu.memref_squeeze %dma_wait3A_300 : memref<1x96x384xf32, #tpu.memory_space<hbm>> -> memref<96x384xf32, #tpu.memory_space<hbm>>
    %dma_wait3A_302 = arith.constant 0 : i32
    %dma_wait3A_303 = tpu.memref_slice %arg4[%select_n3A_278, %mul3A_298, %dma_wait3A_302] : memref<384x384x384xf32, #tpu.memory_space<hbm>> -> memref<1x96x384xf32, #tpu.memory_space<hbm>>
    %dma_wait3A_304 = tpu.memref_squeeze %dma_wait3A_303 : memref<1x96x384xf32, #tpu.memory_space<hbm>> -> memref<96x384xf32, #tpu.memory_space<hbm>>
    tpu.wait_dma2 semaphore(%arg16 : memref<!tpu.dma_semaphore, #tpu.memory_space<semaphore_mem>>) src(%arg10 : memref<96x384xf32, #tpu.memory_space<vmem>>) dst(%dma_wait3A_304 : memref<96x384xf32, #tpu.memory_space<hbm>>)
    return
  }
}

</mosaic_0001>

<sc_bundles>
// kernel: kernel.3.cloned.1.call-start
scs
__scs_entry_jumppad:
0x0: {  	(pc) =	sbr.rel $0x88, $3  }
0x1: {  	(tag) =	ssettag $0x0;
	lr =	simm.s32 $0x1  }
0x2: {  	[smem:$0x3F9F] =	sst lr;
	_ =	strace $0xD0000000  }
0x3: {  	_ = 	snop  }
0x4: {  	_ = 	snop  }
0x5: {  	_ = 	snop  }
0x6: {  	_ = 	snop  }
0x7: {  	_ = 	snop  }
__scs_overlays_trampoline_lowered:
0x8: {  	[smem:$0x3FAE] =	sst s0  }
0x9: {  	[smem:$0x3FAF] =	sst s1  }
0xa: {  	[smem:$0x3FB0] =	sst s2  }
0xb: {  	[smem:$0x3FB1] =	sst s3  }
0xc: {  	[smem:$0x3FB2] =	sst s4  }
0xd: {  	[smem:$0x3FB3] =	sst s5  }
0xe: {  	[smem:$0x3FB4] =	sst s6  }
0xf: {  	[smem:$0x3FB5] =	sst s7  }
0x10: {  	[smem:$0x3FB6] =	sst s8  }
0x11: {  	[smem:$0x3FB7] =	sst s9;
	s0 =	simm.s32 @!p0 $0x0  }
0x12: {  	s1 =	sld [smem:$0x3F9D];
	s0 =	simm.s32 @p0 $0x1  }
0x13: {  	[smem:$0x3FB8] =	sst s0;
	s0 =	simm.s32 @!p1 $0x0  }
0x14: {  	s2 =	sld [smem:$0x3F9C];
	s0 =	simm.s32 @p1 $0x1  }
0x15: {  	[smem:$0x3FB9] =	sst s0;
	s0 =	simm.s32 @!p2 $0x0  }
0x16: {  	s3 =	sld [smem:$0x3FDB];
	s0 =	simm.s32 @p2 $0x1  }
0x17: {  	s4 =	simm.s32 $0x1BF5;
	[smem:$0x3FBB] =	sst s0  }
0x18: {  	s0 =	sld [smem:$0x3F9E];
	_ =	swait.ge [sflag:s4], $0x0  }
0x19: {  	s7 =	sld [smem:$0x3F9F]  }
0x1a: {  	s8 =	sadd.s32 $0xFFFFE003, lr  }
0x1b: {  	s9 =	sadd.s32 $0xFFFFFEF7, lr;
	s5 =	simm.s32 $0xFFFFFFFF;
	p2 =	slt.u32 s8, $0xFFFFF086  }
0x1c: {  	p1 =	slt.u32 s9, $0xF7A;
	s5 =	simm.s32 @!p2 $0x0  }
0x1d: {  	s5 =	simm.s32 @p1 $0x1;
	p0 =	seq.s32 s7, s2  }
0x1e: {  	s7 =	smul.u32 @!p0 $0xF7A, s2;
	p2 =	seq.s32 @!p0 s5, $0x0  }
0x1f: {  	s9 =	smul.u32 $0xF7A, s1;
	s8 =	simm.s32 @!p0 $0x1BF5;
	p2 =	por !p2, p0  }
0x20: {  	[sflag:s8] =	ssyncset.s32 @!p0 $0xFFFFF086;
	s6 =	sadd.s32 @!p0 s3, s7;
	s7 =	simm.s32 @!p0 $0x108  }
0x21: {  	s3 =	sadd.s32 s3, s9;
	s6 =	sadd.s32 @!p0 $0x88, s6;
	s7 =	simm.s32 @p2 $0x1082  }
0x22: {  	[simem:s7], [sflag:s8] =	dma.local @!p0 [hbm:s6], $0xF7A  }
0x23: {  	s9 =	sor.u32 $0xD0000000, s2;
	s6 =	simm.s32 $0x108;
	_ =	swait.ge @!p0 [sflag:s8], $0x0  }
0x24: {  	s3 =	sadd.s32 $0x88, s3;
	s6 =	simm.s32 @!p1 $0x1082;
	[sflag:s4] =	ssyncset.s32 $0xFFFFF086  }
0x25: {  	[simem:s6], [sflag:s4] =	dma.local [hbm:s3], $0xF7A  }
0x26: {  	[smem:$0x3F9F] =	sst s1;
	(tag) =	ssettag s2;
	_ =	strace s9  }
0x27: {  	s1 =	sld [smem:$0x3FAF]  }
0x28: {  	s2 =	sld [smem:$0x3FB0]  }
0x29: {  	s4 =	sld [smem:$0x3FB2]  }
0x2a: {  	p0 =	seq.s32 s5, $0x0;
	s5 =	sld [smem:$0x3FB3]  }
0x2b: {  	s6 =	sld [smem:$0x3FB4]  }
0x2c: {  	s7 =	sld [smem:$0x3FB5]  }
0x2d: {  	s3 =	simm.s32 $0x108;
	s8 =	sld [smem:$0x3FB6]  }
0x2e: {  	s3 =	simm.s32 @!p0 $0x1082;
	s9 =	sld [smem:$0x3FB7]  }
0x2f: {  	lr =	sadd.s32 s0, s3;
	s0 =	sld [smem:$0x3FAE]  }
0x30: {  	s3 =	sld [smem:$0x3FB1]  }
0x31: {  	[smem:$0x3FBA] =	sst s10  }
0x32: {  	s10 =	sld [smem:$0x3FB8];
	_ =	sdelay $0x3  }
0x33: {  	p0 =	seq.s32 s10, $0x1;
	s10 =	sld [smem:$0x3FBA];
	_ =	sdelay $0x3  }
0x34: {  	[smem:$0x3FBA] =	sst s10  }
0x35: {  	s10 =	sld [smem:$0x3FB9];
	_ =	sdelay $0x3  }
0x36: {  	p1 =	seq.s32 s10, $0x1;
	s10 =	sld [smem:$0x3FBA];
	_ =	sdelay $0x3  }
0x37: {  	[smem:$0x3FBA] =	sst s10  }
0x38: {  	s10 =	sld [smem:$0x3FBB]  }
0x39: {  	_ = 	snop;
	(pc) =	sbr.ind lr, $3  }
0x3a: {  	_ = 	snop  }
0x3b: {  	_ = 	snop  }
0x3c: {  	p2 =	seq.s32 s10, $0x1;
	s10 =	sld [smem:$0x3FBA]  }
0x3d: {  	_ =	shalt  }
0x3e: {  	_ =	shalt  }
0x3f: {  	_ =	shalt  }
0x40: {  	_ =	shalt  }
0x41: {  	_ =	shalt  }
0x42: {  	_ =	shalt  }
0x43: {  	_ =	shalt  }
0x44: {  	_ =	shalt  }
0x45: {  	_ =	shalt  }
0x46: {  	_ =	shalt  }
0x47: {  	_ =	shalt  }
0x48: {  	_ =	shalt  }
0x49: {  	_ =	shalt  }
0x4a: {  	_ =	shalt  }
0x4b: {  	_ =	shalt  }
0x4c: {  	_ =	shalt  }
0x4d: {  	_ =	shalt  }
0x4e: {  	_ =	shalt  }
0x4f: {  	_ =	shalt  }
0x50: {  	_ =	shalt  }
0x51: {  	_ =	shalt  }
0x52: {  	_ =	shalt  }
0x53: {  	_ =	shalt  }
0x54: {  	_ =	shalt  }
0x55: {  	_ =	shalt  }
0x56: {  	_ =	shalt  }
0x57: {  	_ =	shalt  }
0x58: {  	_ =	shalt  }
0x59: {  	_ =	shalt  }
0x5a: {  	_ =	shalt  }
0x5b: {  	_ =	shalt  }
0x5c: {  	_ =	shalt  }
0x5d: {  	_ =	shalt  }
0x5e: {  	_ =	shalt  }
0x5f: {  	_ =	shalt  }
0x60: {  	_ =	shalt  }
0x61: {  	_ =	shalt  }
0x62: {  	_ =	shalt  }
0x63: {  	_ =	shalt  }
0x64: {  	_ =	shalt  }
0x65: {  	_ =	shalt  }
0x66: {  	_ =	shalt  }
0x67: {  	_ =	shalt  }
0x68: {  	_ =	shalt  }
0x69: {  	_ =	shalt  }
0x6a: {  	_ =	shalt  }
0x6b: {  	_ =	shalt  }
0x6c: {  	_ =	shalt  }
0x6d: {  	_ =	shalt  }
0x6e: {  	_ =	shalt  }
0x6f: {  	_ =	shalt  }
0x70: {  	_ =	shalt  }
0x71: {  	_ =	shalt  }
0x72: {  	_ =	shalt  }
0x73: {  	_ =	shalt  }
0x74: {  	_ =	shalt  }
0x75: {  	_ =	shalt  }
0x76: {  	_ =	shalt  }
0x77: {  	_ =	shalt  }
0x78: {  	_ =	shalt  }
0x79: {  	_ =	shalt  }
0x7a: {  	_ =	shalt  }
0x7b: {  	_ =	shalt  }
0x7c: {  	_ =	shalt  }
0x7d: {  	_ =	shalt  }
0x7e: {  	_ =	shalt  }
0x7f: {  	_ =	shalt  }
0x80: {  	_ =	shalt  }
0x81: {  	_ =	shalt  }
0x82: {  	_ =	shalt  }
0x83: {  	_ =	shalt  }
0x84: {  	_ =	shalt  }
0x85: {  	_ =	shalt  }
0x86: {  	_ =	shalt  }
0x87: {  	_ =	shalt  }
.Lfunc_end0:
.L_simem_size_0:
called_computation_lowered:
.L_overlay_start_0:
0x88: {  	s2 =	sld [smem:$0x3FD9]  }
0x89: {  	s3 =	sld [smem:$0x3FFE];
	_ =	sdelay $0x1  }
0x8a: {  	s1 =	srdreg.scid  }
0x8b: {  	s0 =	sand.u32 $0x1, s1  }
0x8c: {  	s18 =	sshll.u32 s0, $0xA;
	s2 =	sadd.s32 s3, s2  }
0x8d: {  	s2 =	sadd.s32 s2, s18  }
0x8e: {  	[smem:$0x3FC6] =	sst s2  }
0x8f: {  	_ = 	snop  }
0x90: {  	s2 =	sld [smem:$0x3FC9]  }
0x91: {  	s19 =	sld [smem:$0x3FC8]  }
0x92: {  	s4 =	sld [smem:$0x3FD0];
	(tm) =	ssettm $0x1  }
0x93: {  	s5 =	sld [smem:$0x3FFB];
	_ =	sdelay $0x3  }
0x94: {  	_ =	strace s5  }
0x95: {  	s5 =	sld [smem:$0x3FFC];
	_ =	sdelay $0x3  }
0x96: {  	_ =	strace s5  }
0x97: {  	s5 =	sld [smem:$0x3FFD];
	_ =	sdelay $0x3  }
0x98: {  	_ =	strace s5  }
0x99: {  	_ =	strace $0x8FFFFFFF  }
0x9a: {  	s20 =	sld [smem:$0x3FDB];
	_ =	sdelay $0x1  }
0x9b: {  	s6 =	simm.s32 $_scs_section_size  }
0x9c: {  	s7 =	simm.s32 $_size__tile_overlayer_lowered;
	s8 =	simm.s32 $_tile_overlayer_lowered  }
0x9d: {  	s23 =	simm.s32 $0x1BFF;
	s22 =	sshll.u32 s8, $0x1;
	s5 =	sadd.s32 s6, s20  }
0x9e: {  	s9 =	simm.s32 $0x0;
	s21 =	sshll.u32 s7, $0x1;
	s7 =	sadd.s32 s22, s5  }
0x9f: {  	[timem:s9], [sflag:s23] =	dma.local [hbm:s7], s21  }
0xa0: {  	_ =	swait.ge [sflag:s23], s21  }
0xa1: {  	s6 =	ssub.s32 $0x0, s21;
	[sflag:s23] =	ssyncset.done $0x0  }
0xa2: {  	[sflag:s23] =	ssyncadd.s32 s6;
	_ =	sdelay $0x1  }
0xa3: {  	s24 =	simm.s32 $0x1B8B  }
0xa4: {  	_ =	swait.ge [sflag:s24], $0x1  }
0xa5: {  	[sflag:s24] =	ssyncset.done $0x0  }
0xa6: {  	s25 =	simm.s32 $0x1B8E;
	[sflag:s24] =	ssyncadd.s32 $0xFFFFFFFF  }
0xa7: {  	s26 =	simm.s32 $execute0_lowered;
	[smem:$0x3FD2] =	sst s25  }
0xa8: {  	s6 =	sshll.u32 s26, $0x1;
	_ =	strace $0x80000046;
	[dreg:$0x1] =	wrdreg $0xFFFFFFFF  }
0xa9: {  	s28 =	simm.s32 $_size_execute0_lowered;
	s5 =	sadd.s32 s5, s6;
	[dreg:$0x0] =	wrdreg $0x0  }
0xaa: {  	s6 =	sshll.u32 s28, $0x1;
	[dreg:$0x2] =	wrdreg s5  }
0xab: {  	[dreg:$0x3] =	wrdreg s6  }
0xac: {  	[dreg:$0x4] =	wrdreg $0xC0  }
0xad: {  	_ =	task [dreg:s9], $0x5FFFF  }
0xae: {  	[dreg:$0x1] =	wrdreg $0xFFFFFFFF  }
0xaf: {  	[dreg:$0x0] =	wrdreg $0x60  }
0xb0: {  	[dreg:$0x2] =	wrdreg s2  }
0xb1: {  	[dreg:$0x3] =	wrdreg s19  }
0xb2: {  	[dreg:$0x4] =	wrdreg s4  }
0xb3: {  	[dreg:$0x5] =	wrdreg $0x9  }
0xb4: {  	_ =	task.clear_ibuf [dreg:s9], $0x6FFFF;
	_ =	strace $0x90000046  }
0xb5: {  	s29 =	simm.s32 $0x9;
	_ =	strace $0x80000048  }
0xb6: {  	_ =	swait.ge [sflag:s29], $0x1  }
0xb7: {  	[sflag:s29] =	ssyncadd.s32 $0xFFFFFFFF  }
0xb8: {  	_ =	strace $0x90000048  }
0xb9: {  	_ =	sfence  }
0xba: {  	s30 =	sld [smem:$0x0];
	_ =	sdelay $0x2  }
0xbb: {  	s31 =	sshll.u32 s1, $0xD;
	s1 =	sshrl.u32 s1, $0x2  }
0xbc: {  	s3 =	sand.u32 $0x4000, s31;
	s1 =	sadd.s32 s1, s30  }
0xbd: {  	s0 =	sor.u32 s3, s0;
	s1 =	sshll.u32 s1, $0x11  }
0xbe: {  	s0 =	sor.u32 s1, s0  }
0xbf: {  	s0 =	sadd.s32 $0x8F2B, s0  }
0xc0: {  	[sflag:s0] =	ssyncadd.remote.s32 $0x1  }
0xc1: {  	_ =	sfence.sel $0xFFFF  }
0xc2: {  	[dreg:$0x0] =	wrdreg $0xFFFFFFFF;
	(pc) =	sbr.abs _section_cstart, $3  }
0xc3: {  	[dreg:$0x1] =	wrdreg $0xFFFFFFFF  }
0xc4: {  	_ =	task.clear_ibuf [dreg:s9], $0x2FFFF;
	_ =	strace $0x9FFFFFFF  }
0xc5: {  	(tm) =	ssettm $0x7FFFFFFF  }
tec
execute0_lowered:
.L_overlay_start_1:
0x0: {  	(tag) =	ssettag $0x1  }
0x1: {  	s0 =	srdreg.scid  }
0x2: {  	s1 =	stileid.u32;
	s4 =	rddreg [dreg:$0x0]  }
0x3: {  	s5 =	rddreg [dreg:$0x1];
	s0 =	sand.u32 $0x1, s0;
	s1 =	sshll.u32 s1, $0x1  }
0x4: {  	s26 =	rddreg [dreg:$0x2];
	s1 =	sor.u32 s0, s1  }
0x5: {  	s6 =	simm.s32 $0x0;
	s0 =	ssub.s32 $0x2, s0;
	s31 =	smul.u32 $0x30, s1  }
0x6: {  	[smem:$0x7FF] =	sst s6;
	s3 =	sshrl.u32 s0, $0x1;
	s1 =	smul.u32 $0x12000, s1  }
0x7: {  	_ =	strace $0x80000047;
	s0 =	ssub.s32 s0, s3;
	s2 =	sshrl.u32 s31, $0x2  }
0x8: {  	s1 =	sor.u32 $0x600, s1;
	s0 =	smax.u32 s0, $0x1;
	s2 =	smul.u32 $0x1800, s2  }
.Ltmp0:
0x9: {  	s30 =	sadd.s32 s4, s1;
	[dreg:$0x8] =	wrdreg s0;
	(pc) =	sbr.rel .LBB2_1-.Ltmp0, $4  }
0xa: {  	s1 =	sadd.s32 s5, s1;
	[dreg:$0x6] =	wrdreg s30  }
0xb: {  	[dreg:$0x7] =	wrdreg s1;
	s29 =	sadd.s32 s4, s2  }
0xc: {  	s17 =	simm.s32 $0xC000;
	v1 =	vlaneseq.u32;
	s2 =	sadd.s32 s5, s2;
	[dreg:$0x4] =	wrdreg s29  }
0xd: {  	s20 =	simm.s32 $0x15000;
	v0 =	vimm.f32 $0.0e+00;
	v1 =	vmul.u32 $0x2, v1;
	[dreg:$0x5] =	wrdreg s2;
	s2 =	simm.s32 $0x0  }
.LBB2_32:
0xe: {  	s0 =	simm.s32 $0x5  }
0xf: {  	_ =	swait.ge [sflag:s0], $0x9000  }
0x10: {  	[sflag:s0] =	ssyncset.done $0x0  }
0x11: {  	s1 =	simm.s32 $0x6;
	[sflag:s0] =	ssyncadd.s32 $0xFFFF7000  }
0x12: {  	_ =	swait.ge [sflag:s1], $0x9000  }
0x13: {  	s2 =	rddreg [dreg:$0x9]  }
0x14: {  	s30 =	rddreg [dreg:$0x8];
	s2 =	sadd.s32 $0x1, s2  }
0x15: {  	p0 =	sne.s32 s2, s30  }
.Ltmp1:
0x16: {  	_ = 	snop;
	(pc) =	sbr.rel @!p0 .LBB2_33-.Ltmp1, $3  }
0x17: {  	_ =	sdelay $0x1  }
0x18: {  	[sflag:s1] =	ssyncset.done $0x0  }
0x19: {  	[sflag:s1] =	ssyncadd.s32 $0xFFFF7000  }
.LBB2_1:
0x1a: {  	[dreg:$0x9] =	wrdreg s2  }
0x1b: {  	s0 =	rddreg [dreg:$0x4]  }
0x1c: {  	[tilespmem:s6], [sflag:$0x1] =	stream.linear.gather [hbm4b:s0+s6], $0x3000, $0x38;
	[tilespmem:$0x1E000] =	vst v63  }
0x1d: {  	s24 =	rddreg [dreg:$0x5];
	s1 =	simm.s32 $0x6000  }
0x1e: {  	[tilespmem:s1], [sflag:$0x3] =	stream.linear.gather [hbm4b:s24+s6], $0x3000, $0x38;
	[tilespmem:$0x1E000] =	vst v63  }
0x1f: {  	s25 =	rddreg [dreg:$0x6];
	s28 =	simm.s32 $0x3000  }
0x20: {  	[tilespmem:s28], [sflag:$0x2] =	stream.linear.gather [hbm4b:s25+s6], $0x3000, $0x38;
	[tilespmem:$0x1E000] =	vst v63  }
0x21: {  	s29 =	rddreg [dreg:$0x7];
	s30 =	simm.s32 $0x9000;
	s24 =	simm.s32 $0x0  }
0x22: {  	[tilespmem:s30], [sflag:$0x4] =	stream.linear.gather [hbm4b:s29+s6], $0x3000, $0x38;
	[tilespmem:$0x1E000] =	vst v63  }
.LBB2_2:
0x23: {  	s25 =	sshll.u32 s24, $0x1;
	s2 =	simm.s32 $0x1  }
0x24: {  	s1 =	sand.u32 $0x1, s24;
	s30 =	simm.s32 $0x3;
	_ =	swait.ge [sflag:s2], $0x3000  }
0x25: {  	s0 =	sadd.s32 s31, s25;
	p1 =	seq.s32 s1, $0x1;
	[sflag:s2] =	ssyncset.done $0x0  }
0x26: {  	s1 =	simm.s32 $0x1;
	p0 =	seq.s32 s0, $0x0;
	[sflag:s2] =	ssyncadd.s32 $0xFFFFD000  }
0x27: {  	s3 =	sand.u32 $0x2, s25;
	p0 =	por !p0, !p1;
	_ =	swait.ge [sflag:s30], $0x3000  }
0x28: {  	p1 =	por !p0, !p0;
	p0 =	seq.s32 s24, $0x0;
	[sflag:s30] =	ssyncset.done $0x0  }
0x29: {  	s0 =	sshrl.u32 s0, $0x2;
	s2 =	simm.s32 @!p0 $0x5;
	[sflag:s30] =	ssyncadd.s32 $0xFFFFD000  }
0x2a: {  	s1 =	simm.s32 @!p1 $0x0;
	p1 =	por $0x0, $0x0;
	_ =	swait.ge @!p0 [sflag:s2], $0x9000  }
0x2b: {  	s28 =	ssub.s32 s0, s1;
	[dreg:$0xb] =	wrdreg s3;
	[sflag:s2] =	ssyncset.done @!p0 $0x0  }
0x2c: {  	[dreg:$0xa] =	wrdreg s0;
	s0 =	simm.s32 $0x0;
	[sflag:s2] =	ssyncadd.s32 @!p0 $0xFFFF7000  }
.LBB2_3:
0x2d: {  	s1 =	sshrl.u32 s0, $0x3;
	s2 =	simm.s32 $0x1  }
0x2e: {  	s1 =	smul.u32 $0x3000, s1;
	s2 =	simm.s32 @!p1 $0x0  }
0x2f: {  	s2 =	sshll.u32 s2, $0xB  }
0x30: {  	s1 =	sor.u32 s2, s1  }
0x31: {  	s3 =	sshra.s32 s1, $0x2  }
0x32: {  	s7 =	sadd.s32 $0xC040, s3  }
0x33: {  	[tilespmem:s7+$0xFFFFFFC0] =	vst v0  }
0x34: {  	[tilespmem:s7+$0x30] =	vst v0  }
0x35: {  	[tilespmem:s7+$0x20] =	vst v0  }
0x36: {  	[tilespmem:s7+$0x10] =	vst v0  }
0x37: {  	[tilespmem:s7+$0x0] =	vst v0  }
0x38: {  	s8 =	simm.s32 $0x0;
	[tilespmem:s7+$0xFFFFFFF0] =	vst v0  }
0x39: {  	s1 =	sadd.s32 $0xC1F0, s3;
	s2 =	sadd.s32 $0xC170, s3;
	s3 =	sadd.s32 $0xC0F0, s3;
	[tilespmem:s7+$0xFFFFFFE0] =	vst v0  }
.LBB2_4:
0x3a: {  	s8 =	sadd.s32 $0x80, s8;
	[tilespmem:s7+$0xFFFFFFD0] =	vst v0;
	s7 =	sadd.s32 $0x400, s7  }
0x3b: {  	[tilespmem:s7+$0xFFFFFFC0] =	vst v0;
	p2 =	slt.u32 s8, $0x100  }
0x3c: {  	[tilespmem:s7+$0x30] =	vst v0  }
.Ltmp2:
0x3d: {  	[tilespmem:s7+$0x20] =	vst v0;
	(pc) =	sbr.rel @p2 .LBB2_4-.Ltmp2, $4  }
0x3e: {  	[tilespmem:s7+$0x10] =	vst v0  }
0x3f: {  	[tilespmem:s7+$0x0] =	vst v0  }
0x40: {  	[tilespmem:s7+$0xFFFFFFF0] =	vst v0  }
0x41: {  	[tilespmem:s7+$0xFFFFFFE0] =	vst v0  }
0x42: {  	[tilespmem:s7+$0xFFFFFFD0] =	vst v0  }
0x43: {  	[tilespmem:s3+$0xFFFFFF90] =	vst v0  }
0x44: {  	[tilespmem:s3+$0x0] =	vst v0  }
0x45: {  	[tilespmem:s3+$0xFFFFFFF0] =	vst v0  }
0x46: {  	[tilespmem:s3+$0xFFFFFFE0] =	vst v0  }
0x47: {  	[tilespmem:s3+$0xFFFFFFD0] =	vst v0  }
0x48: {  	[tilespmem:s3+$0xFFFFFFC0] =	vst v0  }
0x49: {  	s7 =	simm.s32 $0x0;
	[tilespmem:s3+$0xFFFFFFB0] =	vst v0  }
.LBB2_6:
0x4a: {  	s7 =	sadd.s32 $0x80, s7;
	[tilespmem:s3+$0xFFFFFFA0] =	vst v0;
	s3 =	sadd.s32 $0x400, s3  }
0x4b: {  	[tilespmem:s3+$0xFFFFFF90] =	vst v0;
	p2 =	slt.u32 s7, $0x100  }
0x4c: {  	[tilespmem:s3+$0x0] =	vst v0  }
.Ltmp3:
0x4d: {  	[tilespmem:s3+$0xFFFFFFF0] =	vst v0;
	(pc) =	sbr.rel @p2 .LBB2_6-.Ltmp3, $4  }
0x4e: {  	[tilespmem:s3+$0xFFFFFFE0] =	vst v0  }
0x4f: {  	[tilespmem:s3+$0xFFFFFFD0] =	vst v0  }
0x50: {  	[tilespmem:s3+$0xFFFFFFC0] =	vst v0  }
0x51: {  	[tilespmem:s3+$0xFFFFFFB0] =	vst v0  }
0x52: {  	[tilespmem:s3+$0xFFFFFFA0] =	vst v0  }
0x53: {  	[tilespmem:s2+$0xFFFFFF90] =	vst v0  }
0x54: {  	[tilespmem:s2+$0x0] =	vst v0  }
0x55: {  	[tilespmem:s2+$0xFFFFFFF0] =	vst v0  }
0x56: {  	[tilespmem:s2+$0xFFFFFFE0] =	vst v0  }
0x57: {  	[tilespmem:s2+$0xFFFFFFD0] =	vst v0  }
0x58: {  	[tilespmem:s2+$0xFFFFFFC0] =	vst v0  }
0x59: {  	s3 =	simm.s32 $0x0;
	[tilespmem:s2+$0xFFFFFFB0] =	vst v0  }
.LBB2_8:
0x5a: {  	s3 =	sadd.s32 $0x80, s3;
	[tilespmem:s2+$0xFFFFFFA0] =	vst v0;
	s2 =	sadd.s32 $0x400, s2  }
0x5b: {  	[tilespmem:s2+$0xFFFFFF90] =	vst v0;
	p2 =	slt.u32 s3, $0x100  }
0x5c: {  	[tilespmem:s2+$0x0] =	vst v0  }
.Ltmp4:
0x5d: {  	[tilespmem:s2+$0xFFFFFFF0] =	vst v0;
	(pc) =	sbr.rel @p2 .LBB2_8-.Ltmp4, $4  }
0x5e: {  	[tilespmem:s2+$0xFFFFFFE0] =	vst v0  }
0x5f: {  	[tilespmem:s2+$0xFFFFFFD0] =	vst v0  }
0x60: {  	[tilespmem:s2+$0xFFFFFFC0] =	vst v0  }
0x61: {  	[tilespmem:s2+$0xFFFFFFB0] =	vst v0  }
0x62: {  	[tilespmem:s2+$0xFFFFFFA0] =	vst v0  }
0x63: {  	[tilespmem:s1+$0xFFFFFF90] =	vst v0  }
0x64: {  	[tilespmem:s1+$0x0] =	vst v0  }
0x65: {  	[tilespmem:s1+$0xFFFFFFF0] =	vst v0  }
0x66: {  	[tilespmem:s1+$0xFFFFFFE0] =	vst v0  }
0x67: {  	[tilespmem:s1+$0xFFFFFFD0] =	vst v0  }
0x68: {  	[tilespmem:s1+$0xFFFFFFC0] =	vst v0  }
0x69: {  	s2 =	simm.s32 $0x0;
	[tilespmem:s1+$0xFFFFFFB0] =	vst v0  }
.LBB2_10:
0x6a: {  	s2 =	sadd.s32 $0x80, s2;
	[tilespmem:s1+$0xFFFFFFA0] =	vst v0;
	s1 =	sadd.s32 $0x400, s1  }
0x6b: {  	[tilespmem:s1+$0xFFFFFF90] =	vst v0;
	p2 =	slt.u32 s2, $0x100  }
0x6c: {  	[tilespmem:s1+$0x0] =	vst v0  }
.Ltmp5:
0x6d: {  	[tilespmem:s1+$0xFFFFFFF0] =	vst v0;
	(pc) =	sbr.rel @p2 .LBB2_10-.Ltmp5, $4  }
0x6e: {  	[tilespmem:s1+$0xFFFFFFE0] =	vst v0  }
0x6f: {  	[tilespmem:s1+$0xFFFFFFD0] =	vst v0  }
0x70: {  	[tilespmem:s1+$0xFFFFFFC0] =	vst v0  }
0x71: {  	[tilespmem:s1+$0xFFFFFFB0] =	vst v0  }
0x72: {  	p2 =	slt.u32 s0, $0x5C  }
.Ltmp6:
0x73: {  	_ = 	snop;
	(pc) =	sbr.rel @p2 .LBB2_3-.Ltmp6, $3  }
0x74: {  	_ =	sdelay $0x1  }
0x75: {  	s2 =	sadd.s32 $0x4, s0  }
0x76: {  	[tilespmem:s1+$0xFFFFFFA0] =	vst v0;
	p1 =	por !p1, !p1;
	s30 =	simm.s32 $0x0;
	s0 =	smov.u32 s2  }
0x77: {  	s29 =	smov.u32 s26;
	s26 =	smov.u32 s31  }
0x78: {  	s31 =	simm.s32 $0x0;
	s1 =	simm.s32 $0x0;
	s0 =	simm.s32 $0x0  }
.LBB2_13:
0x79: {  	s2 =	sand.u32 $0x7, s1;
	s3 =	sshll.u32 s31, $0x2  }
0x7a: {  	s2 =	sshll.u32 s2, $0x9;
	s3 =	sand.u32 $0xFFFFE000, s3  }
0x7b: {  	s7 =	sor.u32 s3, s2  }
0x7c: {  	s15 =	sand.u32 $0x3FFFFC00, s30;
	s8 =	sshra.s32 s7, $0x2  }
0x7d: {  	s9 =	simm.s32 $0x280;
	s10 =	sshll.u32 s0, $0x1;
	s2 =	sadd.s32 s8, s15  }
0x7e: {  	s11 =	simm.s32 $0x0;
	s16 =	sadd.s32 $0x0, s7;
	s12 =	sadd.s32 $0x0, s2  }
0x7f: {  	s22 =	simm.s32 $0x20;
	s18 =	sand.u32 $0x3FFFFC00, s9;
	v2 =	vmov s10;
	v10 =	vmov s11;
	s2 =	sshra.s32 s16, $0x2;
	v6 =	vld [tilespmem:s12+$0x6000]  }
0x80: {  	s21 =	simm.s32 $0x180;
	s10 =	simm.s32 $0xA0;
	v14 =	vmov s22;
	v15 =	vor.u32 s11, v1;
	v3 =	vshrl.u32 v2, $0x3;
	v7 =	vld [tilespmem:s12+$0x6010];
	s3 =	sadd.s32 s2, s18  }
0x81: {  	s21 =	sand.u32 $0x3FFFFC00, s21;
	v2 =	vshll.u32 v2, $0x7;
	v9 =	vmov s10;
	v11 =	vor.u32 s10, v1;
	v8 =	vld [tilespmem:s3+$0x6050]  }
0x82: {  	v16 =	vshll.u32 v10, $0x3;
	v14 =	vshll.u32 v14, $0x3;
	v10 =	vor.u32 s22, v1;
	s21 =	sadd.s32 s2, s21  }
0x83: {  	v3 =	vmul.u32 $0xC00, v3;
	v2 =	vand.u32 $0x300, v2;
	v9 =	vshll.u32 v9, $0x3;
	v24 =	vld [tilespmem:s21+$0x6030]  }
0x84: {  	s14 =	simm.s32 $0x100;
	v28 =	vand.u32 $0xC00, v16;
	v30 =	vand.u32 $0xC00, v14;
	v9 =	vand.u32 $0x1C00, v9  }
0x85: {  	s14 =	sand.u32 $0x3FFFFC00, s14;
	v9 =	vadd.s32 v3, v9;
	v4 =	vand.u32 $0x1, v6;
	v5 =	vand.u32 $0x1, v7  }
0x86: {  	s14 =	sadd.s32 s2, s14;
	v6 =	vsub.s32 v6, v15;
	v7 =	vsub.s32 v7, v10;
	v12 =	vsub.s32 v8, v11  }
0x87: {  	s13 =	simm.s32 $0x200;
	v13 =	vld [tilespmem:s14+$0x6020];
	v11 =	vand.u32 $0x7E, v11;
	v8 =	vand.u32 $0x1, v8;
	v20 =	vand.u32 $0x80, v6  }
0x88: {  	s23 =	simm.s32 $0x40;
	s13 =	sand.u32 $0x3FFFFC00, s13;
	v21 =	vand.u32 $0x80, v7;
	v14 =	vand.u32 $0x1, v24;
	v12 =	vand.u32 $0x80, v12  }
0x89: {  	s5 =	simm.s32 $0x60;
	s2 =	sadd.s32 s2, s13;
	v8 =	vor.u32 v8, v11;
	v11 =	vmov s23;
	v9 =	vor.u32 v9, v12  }
0x8a: {  	s19 =	simm.s32 $0x80;
	v25 =	vld [tilespmem:s2+$0x6040];
	v12 =	vmov s5;
	v17 =	vshll.u32 v11, $0x3;
	v11 =	vor.u32 s23, v1  }
0x8b: {  	v8 =	vor.u32 v8, v9;
	v9 =	vmov s19;
	v18 =	vshll.u32 v12, $0x3  }
0x8c: {  	p1 =	por $0x1, $0x1;
	v26 =	vld [tilespmem:s3+$0x50];
	v12 =	vor.u32 s5, v1;
	v27 =	vsub.s32 v13, v11;
	v8 =	vor.u32 v2, v8  }
.Ltmp7:
0x8d: {  	v31 =	vand.u32 $0x1C00, v17;
	v19 =	vshll.u32 v9, $0x3;
	v9 =	vor.u32 s19, v1;
	(pc) =	sbr.rel @!p1 .LBB2_15-.Ltmp7, $4  }
0x8e: {  	v16 =	vsub.s32 v24, v12;
	v22 =	vand.u32 $0x1C00, v18;
	v18 =	vand.u32 $0x80, v27  }
0x8f: {  	s11 =	simm.s32 $0x300;
	v6 =	vld [tilespmem:s14+$0x20];
	v24 =	vadd.s32 v3, v31;
	v29 =	vsub.s32 v25, v9;
	v23 =	vand.u32 $0x1C00, v19  }
0x90: {  	s22 =	simm.s32 $0x480;
	s13 =	simm.s32 $0x180;
	s3 =	simm.s32 $0x0;
	v7 =	vld [tilespmem:s21+$0x30];
	v19 =	vand.u32 $0x80, v16;
	v16 =	vand.u32 $0x1, v13;
	v13 =	vand.u32 $0x1, v25  }
0x91: {  	s21 =	simm.s32 $0x500;
	s14 =	simm.s32 $0x0;
	s23 =	simm.s32 $0x400;
	v25 =	vadd.s32 v3, v28;
	v17 =	vand.u32 $0x80, v29;
	[tilespmem:v8+s17+$0x0] =	vst.idx.msk $0xffff, v26;
	v8 =	vld [tilespmem:s2+$0x40];
	v26 =	vadd.s32 v3, v30  }
.LBB2_14:
0x92: {  	s5 =	sand.u32 $0x3FFFFC00, s21;
	s2 =	sand.u32 $0x3FFFFC00, s11;
	v15 =	vand.u32 $0x5E, v15;
	v22 =	vadd.s32 v3, v22;
	v23 =	vadd.s32 v3, v23;
	s15 =	smov.u32 s3  }
0x93: {  	s16 =	sshra.s32 s13, $0x2;
	v10 =	vand.u32 $0x7E, v10;
	v11 =	vand.u32 $0x5E, v11;
	v12 =	vand.u32 $0x7E, v12;
	s15 =	sand.u32 $0x3FFFFC00, s22;
	s2 =	sadd.s32 s8, s2  }
0x94: {  	s18 =	sand.u32 $0x3FFFFC00, s23;
	v20 =	vor.u32 v25, v20;
	v21 =	vor.u32 v26, v21;
	v9 =	vand.u32 $0x5E, v9;
	s14 =	sadd.s32 $0xFFFFFF80, s14;
	s16 =	sadd.s32 s16, s2;
	v27 =	vld [tilespmem:s12+$0x0]  }
0x95: {  	v18 =	vor.u32 v24, v18;
	s9 =	sadd.s32 $0x300, s9;
	s19 =	sadd.s32 s14, s7;
	v19 =	vor.u32 v22, v19;
	v17 =	vor.u32 v23, v17;
	s2 =	sadd.s32 $0x60, s3;
	v25 =	vld [tilespmem:s16+$0x6000]  }
0x96: {  	s6 =	sand.u32 $0x3FFFFC00, s9;
	v4 =	vor.u32 v4, v15;
	v5 =	vor.u32 v5, v10;
	v10 =	vor.u32 v16, v11;
	s19 =	sshra.s32 s19, $0x2;
	p1 =	slt.u32 s2, s3;
	v22 =	vld [tilespmem:s16+$0x6010]  }
0x97: {  	v12 =	vor.u32 v14, v12;
	v9 =	vor.u32 v13, v9;
	v4 =	vor.u32 v4, v20;
	s3 =	sadd.s32 s19, s6;
	s5 =	sadd.s32 s19, s5;
	s6 =	sadd.s32 s19, s15;
	v11 =	vld [tilespmem:s12+$0x10]  }
0x98: {  	v5 =	vor.u32 v5, v21;
	v10 =	vor.u32 v10, v18;
	v12 =	vor.u32 v12, v19;
	s15 =	sadd.s32 s19, s18;
	s12 =	smov.u32 s16;
	v13 =	vld [tilespmem:s3+$0x6050]  }
0x99: {  	v15 =	vor.u32 v2, v4;
	v16 =	vor.u32 v2, v5;
	v4 =	vor.u32 v9, v17;
	v14 =	vld [tilespmem:s15+$0x6020]  }
0x9a: {  	s10 =	sadd.s32 $0xC0, s10;
	v9 =	vor.u32 v2, v10;
	v10 =	vor.u32 v2, v12;
	v12 =	vor.u32 v2, v4;
	v24 =	vld [tilespmem:s6+$0x6030]  }
0x9b: {  	s18 =	sadd.s32 $0xFFFFFF80, s10;
	s19 =	sadd.s32 $0xFFFFFFA0, s10;
	v17 =	vmov s10;
	s16 =	sadd.s32 $0xFFFFFF60, s10;
	v4 =	vand.u32 $0x1, v25;
	v5 =	vand.u32 $0x1, v22;
	v26 =	vld [tilespmem:s5+$0x6040]  }
0x9c: {  	s4 =	sadd.s32 $0xFFFFFFE0, s10;
	v20 =	vor.u32 s10, v1;
	v17 =	vshll.u32 v17, $0x3;
	v18 =	vmov s16;
	v19 =	vld [tilespmem:s15+$0x20];
	s15 =	sadd.s32 $0xFFFFFFC0, s10  }
0x9d: {  	v17 =	vand.u32 $0x1C00, v17;
	v21 =	vld [tilespmem:s6+$0x30];
	v23 =	vsub.s32 v13, v20;
	v20 =	vand.u32 $0x7E, v20  }
0x9e: {  	v17 =	vadd.s32 v3, v17;
	v13 =	vand.u32 $0x1, v13;
	v28 =	vld [tilespmem:s5+$0x40];
	v23 =	vand.u32 $0x80, v23;
	[tilespmem:v15+s17+$0x0] =	vst.idx.msk $0xffff, v27  }
0x9f: {  	v15 =	vmov s18;
	v13 =	vor.u32 v13, v20;
	v17 =	vor.u32 v17, v23;
	[tilespmem:v16+s17+$0x0] =	vst.idx.msk $0xffff, v11  }
0xa0: {  	v11 =	vmov s19;
	v16 =	vmov s15;
	v13 =	vor.u32 v13, v17;
	[tilespmem:v9+s17+$0x0] =	vst.idx.msk $0xffff, v6  }
0xa1: {  	v17 =	vshll.u32 v18, $0x3;
	v9 =	vmov s4;
	v18 =	vld [tilespmem:s3+$0x50];
	v13 =	vor.u32 v2, v13;
	[tilespmem:v10+s17+$0x0] =	vst.idx.msk $0xffff, v7;
	v6 =	vmovc v19  }
0xa2: {  	v20 =	vshll.u32 v11, $0x3;
	v16 =	vshll.u32 v16, $0x3;
	v19 =	vshll.u32 v15, $0x3;
	[tilespmem:v12+s17+$0x0] =	vst.idx.msk $0xffff, v8;
	v7 =	vmovc v21  }
0xa3: {  	v15 =	vor.u32 s16, v1;
	v10 =	vor.u32 s18, v1;
	v23 =	vshll.u32 v9, $0x3;
	v8 =	vmovc v28  }
0xa4: {  	v11 =	vor.u32 s19, v1;
	v9 =	vor.u32 s4, v1;
	v12 =	vor.u32 s15, v1  }
0xa5: {  	v27 =	vsub.s32 v14, v11;
	v21 =	vsub.s32 v25, v15;
	v25 =	vsub.s32 v22, v10  }
0xa6: {  	v29 =	vsub.s32 v26, v9;
	v28 =	vand.u32 $0xC00, v17;
	v17 =	vsub.s32 v24, v12;
	[tilespmem:v13+s17+$0x0] =	vst.idx.msk $0xffff, v18  }
.Ltmp8:
0xa7: {  	v31 =	vand.u32 $0x1C00, v20;
	v30 =	vand.u32 $0xC00, v19;
	v22 =	vand.u32 $0x1C00, v16;
	(pc) =	sbr.rel @p1 .LBB2_14-.Ltmp8, $4  }
0xa8: {  	v23 =	vand.u32 $0x1C00, v23;
	v20 =	vand.u32 $0x80, v21;
	v21 =	vand.u32 $0x80, v25  }
0xa9: {  	v19 =	vand.u32 $0x80, v17;
	v17 =	vand.u32 $0x80, v29;
	v18 =	vand.u32 $0x80, v27  }
0xaa: {  	s11 =	sadd.s32 $0x300, s11;
	s21 =	sadd.s32 $0x300, s21;
	s23 =	sadd.s32 $0x300, s23;
	v16 =	vand.u32 $0x1, v14;
	v14 =	vand.u32 $0x1, v24;
	v13 =	vand.u32 $0x1, v26  }
0xab: {  	s13 =	sadd.s32 $0x180, s13;
	s22 =	sadd.s32 $0x300, s22;
	s3 =	smov.u32 s2;
	v24 =	vadd.s32 v3, v31;
	v25 =	vadd.s32 v3, v28;
	v26 =	vadd.s32 v3, v30  }
.LBB2_15:
0xac: {  	v15 =	vand.u32 $0x5E, v15;
	v22 =	vadd.s32 v3, v22;
	v3 =	vadd.s32 v3, v23  }
0xad: {  	v10 =	vand.u32 $0x7E, v10;
	v11 =	vand.u32 $0x5E, v11;
	v12 =	vand.u32 $0x7E, v12  }
0xae: {  	v20 =	vor.u32 v25, v20;
	v21 =	vor.u32 v26, v21;
	v9 =	vand.u32 $0x5E, v9  }
0xaf: {  	v18 =	vor.u32 v24, v18;
	v19 =	vor.u32 v22, v19;
	v4 =	vor.u32 v4, v15  }
0xb0: {  	v3 =	vor.u32 v3, v17;
	v5 =	vor.u32 v5, v10;
	v4 =	vor.u32 v4, v20  }
0xb1: {  	v61 =	vld [tilespmem:s12+$0x0];
	v11 =	vor.u32 v16, v11;
	v5 =	vor.u32 v5, v21;
	v4 =	vor.u32 v2, v4  }
0xb2: {  	v62 =	vld [tilespmem:s12+$0x10];
	v12 =	vor.u32 v14, v12;
	v11 =	vor.u32 v11, v18;
	v5 =	vor.u32 v2, v5  }
0xb3: {  	v9 =	vor.u32 v13, v9;
	v12 =	vor.u32 v12, v19;
	v11 =	vor.u32 v2, v11  }
0xb4: {  	s0 =	sadd.s32 $0x1, s0;
	v3 =	vor.u32 v9, v3;
	v63 =	vor.u32 v2, v12  }
0xb5: {  	p1 =	sne.s32 s0, $0x30;
	v2 =	vor.u32 v2, v3  }
.Ltmp9:
0xb6: {  	[tilespmem:v4+s17+$0x0] =	vst.idx.msk $0xffff, v61;
	(pc) =	sbr.rel @p1 .LBB2_13-.Ltmp9, $4  }
0xb7: {  	[tilespmem:v5+s17+$0x0] =	vst.idx.msk $0xffff, v62  }
0xb8: {  	[tilespmem:v11+s17+$0x0] =	vst.idx.msk $0xffff, v6  }
0xb9: {  	[tilespmem:v63+s17+$0x0] =	vst.idx.msk $0xffff, v7  }
0xba: {  	s1 =	sadd.s32 $0x1, s1;
	s31 =	sadd.s32 $0x100, s31;
	[tilespmem:v2+s17+$0x0] =	vst.idx.msk $0xffff, v8  }
0xbb: {  	s0 =	smul.u32 $0x24000, s28;
	s1 =	rddreg [dreg:$0xb]  }
0xbc: {  	p1 =	seq.s32 s24, $0x17;
	s28 =	smul.u32 $0x9000, s1  }
0xbd: {  	s1 =	sadd.s32 @!p1 $0x2, s25  }
0xbe: {  	s2 =	sadd.s32 @!p1 s26, s1;
	s1 =	sand.u32 @!p1 $0x2, s1;
	s0 =	sadd.s32 s28, s0  }
0xbf: {  	s2 =	sshrl.u32 @!p1 s2, $0x2;
	s1 =	smul.u32 @!p1 $0x3000, s1;
	s0 =	sshrl.u32 s0, $0x3  }
0xc0: {  	s3 =	simm.s32 $0x0;
	s2 =	smul.u32 @!p1 $0xC000, s2;
	s0 =	sadd.s32 s29, s0  }
0xc1: {  	[hbm4b:s0+s3] =	stream.linear.scatter [tilespmem:s17], [sflag:$0x5], $0x9000, $0x38;
	[tilespmem:$0x1E000] =	vst v63  }
0xc2: {  	s0 =	sadd.s32 @!p1 s1, s2  }
0xc3: {  	s1 =	rddreg [dreg:$0x0];
	s0 =	sshrl.u32 @!p1 s0, $0x3  }
0xc4: {  	s2 =	simm.s32 @!p1 $0x0;
	s1 =	sadd.s32 @!p1 s1, s0  }
0xc5: {  	[tilespmem:s2], [sflag:$0x1] =	stream.linear.gather @!p1 [hbm4b:s1+s2], $0x3000, $0x38;
	[tilespmem:$0x1E000] =	vst v63  }
0xc6: {  	s31 =	smov.u32 s26;
	s26 =	smov.u32 s29;
	s1 =	rddreg [dreg:$0x1]  }
0xc7: {  	s29 =	simm.s32 $0x2;
	s0 =	sadd.s32 @!p1 s1, s0;
	s1 =	simm.s32 @!p1 $0x6000  }
0xc8: {  	[tilespmem:s1], [sflag:$0x3] =	stream.linear.gather @!p1 [hbm4b:s0+s2], $0x3000, $0x38;
	[tilespmem:$0x1E000] =	vst v63  }
0xc9: {  	_ =	swait.ge [sflag:s29], $0x3000  }
0xca: {  	[sflag:s29] =	ssyncset.done $0x0  }
0xcb: {  	s30 =	simm.s32 $0x4;
	[sflag:s29] =	ssyncadd.s32 $0xFFFFD000  }
0xcc: {  	_ =	swait.ge [sflag:s30], $0x3000  }
0xcd: {  	[sflag:s30] =	ssyncset.done $0x0  }
0xce: {  	s0 =	simm.s32 @!p0 $0x6;
	[sflag:s30] =	ssyncadd.s32 $0xFFFFD000  }
0xcf: {  	_ =	swait.ge @!p0 [sflag:s0], $0x9000  }
0xd0: {  	[sflag:s0] =	ssyncset.done @!p0 $0x0  }
0xd1: {  	[sflag:s0] =	ssyncadd.s32 @!p0 $0xFFFF7000;
	s0 =	simm.s32 $0x0;
	p0 =	por $0x0, $0x0  }
.LBB2_17:
0xd2: {  	s1 =	sshrl.u32 s0, $0x3;
	s2 =	simm.s32 $0x1  }
0xd3: {  	s1 =	smul.u32 $0x3000, s1;
	s2 =	simm.s32 @!p0 $0x0  }
0xd4: {  	s2 =	sshll.u32 s2, $0xB  }
0xd5: {  	s1 =	sor.u32 s2, s1  }
0xd6: {  	s3 =	sshra.s32 s1, $0x2  }
0xd7: {  	s7 =	sadd.s32 $0x15040, s3  }
0xd8: {  	[tilespmem:s7+$0xFFFFFFC0] =	vst v0  }
0xd9: {  	[tilespmem:s7+$0x30] =	vst v0  }
0xda: {  	[tilespmem:s7+$0x20] =	vst v0  }
0xdb: {  	[tilespmem:s7+$0x10] =	vst v0  }
0xdc: {  	[tilespmem:s7+$0x0] =	vst v0  }
0xdd: {  	s8 =	simm.s32 $0x0;
	[tilespmem:s7+$0xFFFFFFF0] =	vst v0  }
0xde: {  	s1 =	sadd.s32 $0x151F0, s3;
	s2 =	sadd.s32 $0x15170, s3;
	s3 =	sadd.s32 $0x150F0, s3;
	[tilespmem:s7+$0xFFFFFFE0] =	vst v0  }
.LBB2_18:
0xdf: {  	s8 =	sadd.s32 $0x80, s8;
	[tilespmem:s7+$0xFFFFFFD0] =	vst v0;
	s7 =	sadd.s32 $0x400, s7  }
0xe0: {  	[tilespmem:s7+$0xFFFFFFC0] =	vst v0;
	p2 =	slt.u32 s8, $0x100  }
0xe1: {  	[tilespmem:s7+$0x30] =	vst v0  }
.Ltmp10:
0xe2: {  	[tilespmem:s7+$0x20] =	vst v0;
	(pc) =	sbr.rel @p2 .LBB2_18-.Ltmp10, $4  }
0xe3: {  	[tilespmem:s7+$0x10] =	vst v0  }
0xe4: {  	[tilespmem:s7+$0x0] =	vst v0  }
0xe5: {  	[tilespmem:s7+$0xFFFFFFF0] =	vst v0  }
0xe6: {  	[tilespmem:s7+$0xFFFFFFE0] =	vst v0  }
0xe7: {  	[tilespmem:s7+$0xFFFFFFD0] =	vst v0  }
0xe8: {  	[tilespmem:s3+$0xFFFFFF90] =	vst v0  }
0xe9: {  	[tilespmem:s3+$0x0] =	vst v0  }
0xea: {  	[tilespmem:s3+$0xFFFFFFF0] =	vst v0  }
0xeb: {  	[tilespmem:s3+$0xFFFFFFE0] =	vst v0  }
0xec: {  	[tilespmem:s3+$0xFFFFFFD0] =	vst v0  }
0xed: {  	[tilespmem:s3+$0xFFFFFFC0] =	vst v0  }
0xee: {  	s7 =	simm.s32 $0x0;
	[tilespmem:s3+$0xFFFFFFB0] =	vst v0  }
.LBB2_20:
0xef: {  	s7 =	sadd.s32 $0x80, s7;
	[tilespmem:s3+$0xFFFFFFA0] =	vst v0;
	s3 =	sadd.s32 $0x400, s3  }
0xf0: {  	[tilespmem:s3+$0xFFFFFF90] =	vst v0;
	p2 =	slt.u32 s7, $0x100  }
0xf1: {  	[tilespmem:s3+$0x0] =	vst v0  }
.Ltmp11:
0xf2: {  	[tilespmem:s3+$0xFFFFFFF0] =	vst v0;
	(pc) =	sbr.rel @p2 .LBB2_20-.Ltmp11, $4  }
0xf3: {  	[tilespmem:s3+$0xFFFFFFE0] =	vst v0  }
0xf4: {  	[tilespmem:s3+$0xFFFFFFD0] =	vst v0  }
0xf5: {  	[tilespmem:s3+$0xFFFFFFC0] =	vst v0  }
0xf6: {  	[tilespmem:s3+$0xFFFFFFB0] =	vst v0  }
0xf7: {  	[tilespmem:s3+$0xFFFFFFA0] =	vst v0  }
0xf8: {  	[tilespmem:s2+$0xFFFFFF90] =	vst v0  }
0xf9: {  	[tilespmem:s2+$0x0] =	vst v0  }
0xfa: {  	[tilespmem:s2+$0xFFFFFFF0] =	vst v0  }
0xfb: {  	[tilespmem:s2+$0xFFFFFFE0] =	vst v0  }
0xfc: {  	[tilespmem:s2+$0xFFFFFFD0] =	vst v0  }
0xfd: {  	[tilespmem:s2+$0xFFFFFFC0] =	vst v0  }
0xfe: {  	s3 =	simm.s32 $0x0;
	[tilespmem:s2+$0xFFFFFFB0] =	vst v0  }
.LBB2_22:
0xff: {  	s3 =	sadd.s32 $0x80, s3;
	[tilespmem:s2+$0xFFFFFFA0] =	vst v0;
	s2 =	sadd.s32 $0x400, s2  }
0x100: {  	[tilespmem:s2+$0xFFFFFF90] =	vst v0;
	p2 =	slt.u32 s3, $0x100  }
0x101: {  	[tilespmem:s2+$0x0] =	vst v0  }
.Ltmp12:
0x102: {  	[tilespmem:s2+$0xFFFFFFF0] =	vst v0;
	(pc) =	sbr.rel @p2 .LBB2_22-.Ltmp12, $4  }
0x103: {  	[tilespmem:s2+$0xFFFFFFE0] =	vst v0  }
0x104: {  	[tilespmem:s2+$0xFFFFFFD0] =	vst v0  }
0x105: {  	[tilespmem:s2+$0xFFFFFFC0] =	vst v0  }
0x106: {  	[tilespmem:s2+$0xFFFFFFB0] =	vst v0  }
0x107: {  	[tilespmem:s2+$0xFFFFFFA0] =	vst v0  }
0x108: {  	[tilespmem:s1+$0xFFFFFF90] =	vst v0  }
0x109: {  	[tilespmem:s1+$0x0] =	vst v0  }
0x10a: {  	[tilespmem:s1+$0xFFFFFFF0] =	vst v0  }
0x10b: {  	[tilespmem:s1+$0xFFFFFFE0] =	vst v0  }
0x10c: {  	[tilespmem:s1+$0xFFFFFFD0] =	vst v0  }
0x10d: {  	[tilespmem:s1+$0xFFFFFFC0] =	vst v0  }
0x10e: {  	s2 =	simm.s32 $0x0;
	[tilespmem:s1+$0xFFFFFFB0] =	vst v0  }
.LBB2_24:
0x10f: {  	s2 =	sadd.s32 $0x80, s2;
	[tilespmem:s1+$0xFFFFFFA0] =	vst v0;
	s1 =	sadd.s32 $0x400, s1  }
0x110: {  	[tilespmem:s1+$0xFFFFFF90] =	vst v0;
	p2 =	slt.u32 s2, $0x100  }
0x111: {  	[tilespmem:s1+$0x0] =	vst v0  }
.Ltmp13:
0x112: {  	[tilespmem:s1+$0xFFFFFFF0] =	vst v0;
	(pc) =	sbr.rel @p2 .LBB2_24-.Ltmp13, $4  }
0x113: {  	[tilespmem:s1+$0xFFFFFFE0] =	vst v0  }
0x114: {  	[tilespmem:s1+$0xFFFFFFD0] =	vst v0  }
0x115: {  	[tilespmem:s1+$0xFFFFFFC0] =	vst v0  }
0x116: {  	[tilespmem:s1+$0xFFFFFFB0] =	vst v0  }
0x117: {  	p2 =	slt.u32 s0, $0x5C  }
.Ltmp14:
0x118: {  	_ = 	snop;
	(pc) =	sbr.rel @p2 .LBB2_17-.Ltmp14, $3  }
0x119: {  	_ =	sdelay $0x1  }
0x11a: {  	s2 =	sadd.s32 $0x4, s0  }
0x11b: {  	[tilespmem:s1+$0xFFFFFFA0] =	vst v0;
	p0 =	por !p0, !p0;
	s29 =	simm.s32 $0x0;
	s0 =	smov.u32 s2  }
0x11c: {  	s30 =	simm.s32 $0x0;
	s1 =	simm.s32 $0x0;
	s0 =	simm.s32 $0x0  }
.LBB2_27:
0x11d: {  	s2 =	sand.u32 $0x7, s1;
	s3 =	sshll.u32 s30, $0x2  }
0x11e: {  	s2 =	sshll.u32 s2, $0x9;
	s3 =	sand.u32 $0xFFFFE000, s3  }
0x11f: {  	s7 =	sor.u32 s3, s2  }
0x120: {  	s18 =	sand.u32 $0x3FFFFC00, s29;
	s9 =	simm.s32 $0x280;
	s8 =	sshra.s32 s7, $0x2  }
0x121: {  	s4 =	sshll.u32 s0, $0x1;
	s10 =	simm.s32 $0xA0;
	s2 =	sadd.s32 s8, s18  }
0x122: {  	s22 =	simm.s32 $0x0;
	s19 =	sadd.s32 $0x0, s7;
	s12 =	sadd.s32 $0x0, s2  }
0x123: {  	s13 =	simm.s32 $0x20;
	s21 =	sand.u32 $0x3FFFFC00, s9;
	v2 =	vmov s4;
	v9 =	vmov s10;
	s2 =	sshra.s32 s19, $0x2;
	v6 =	vld [tilespmem:s12+$0x9000]  }
0x124: {  	s11 =	simm.s32 $0x180;
	v10 =	vmov s22;
	v11 =	vor.u32 s10, v1;
	v14 =	vmov s13;
	v7 =	vld [tilespmem:s12+$0x9010];
	s3 =	sadd.s32 s2, s21  }
0x125: {  	s11 =	sand.u32 $0x3FFFFC00, s11;
	v15 =	vor.u32 s22, v1;
	v3 =	vshrl.u32 v2, $0x3;
	v2 =	vshll.u32 v2, $0x7;
	v8 =	vld [tilespmem:s3+$0x9050]  }
0x126: {  	v9 =	vshll.u32 v9, $0x3;
	v16 =	vshll.u32 v10, $0x3;
	v14 =	vshll.u32 v14, $0x3;
	s11 =	sadd.s32 s2, s11  }
0x127: {  	v10 =	vor.u32 s13, v1;
	v3 =	vmul.u32 $0xC00, v3;
	v2 =	vand.u32 $0x300, v2;
	v24 =	vld [tilespmem:s11+$0x9030]  }
0x128: {  	s6 =	simm.s32 $0x100;
	v9 =	vand.u32 $0x1C00, v9;
	v28 =	vand.u32 $0xC00, v16;
	v30 =	vand.u32 $0xC00, v14  }
0x129: {  	s6 =	sand.u32 $0x3FFFFC00, s6;
	v9 =	vadd.s32 v3, v9;
	v4 =	vand.u32 $0x1, v6;
	v5 =	vand.u32 $0x1, v7  }
0x12a: {  	s6 =	sadd.s32 s2, s6;
	v6 =	vsub.s32 v6, v15;
	v7 =	vsub.s32 v7, v10;
	v12 =	vsub.s32 v8, v11  }
0x12b: {  	s5 =	simm.s32 $0x200;
	v13 =	vld [tilespmem:s6+$0x9020];
	v11 =	vand.u32 $0x7E, v11;
	v8 =	vand.u32 $0x1, v8;
	v20 =	vand.u32 $0x80, v6  }
0x12c: {  	s14 =	simm.s32 $0x40;
	s5 =	sand.u32 $0x3FFFFC00, s5;
	v21 =	vand.u32 $0x80, v7;
	v14 =	vand.u32 $0x1, v24;
	v12 =	vand.u32 $0x80, v12  }
0x12d: {  	s15 =	simm.s32 $0x60;
	s2 =	sadd.s32 s2, s5;
	v8 =	vor.u32 v8, v11;
	v11 =	vmov s14;
	v9 =	vor.u32 v9, v12  }
0x12e: {  	s23 =	simm.s32 $0x80;
	v25 =	vld [tilespmem:s2+$0x9040];
	v12 =	vmov s15;
	v17 =	vshll.u32 v11, $0x3;
	v11 =	vor.u32 s14, v1  }
0x12f: {  	v8 =	vor.u32 v8, v9;
	v9 =	vmov s23;
	v18 =	vshll.u32 v12, $0x3  }
0x130: {  	p0 =	por $0x1, $0x1;
	v26 =	vld [tilespmem:s3+$0x3050];
	v12 =	vor.u32 s15, v1;
	v27 =	vsub.s32 v13, v11;
	v8 =	vor.u32 v2, v8  }
.Ltmp15:
0x131: {  	v31 =	vand.u32 $0x1C00, v17;
	v19 =	vshll.u32 v9, $0x3;
	v9 =	vor.u32 s23, v1;
	(pc) =	sbr.rel @!p0 .LBB2_29-.Ltmp15, $4  }
0x132: {  	v16 =	vsub.s32 v24, v12;
	v22 =	vand.u32 $0x1C00, v18;
	v18 =	vand.u32 $0x80, v27  }
0x133: {  	s22 =	simm.s32 $0x480;
	v6 =	vld [tilespmem:s6+$0x3020];
	v24 =	vadd.s32 v3, v31;
	v29 =	vsub.s32 v25, v9;
	v23 =	vand.u32 $0x1C00, v19  }
0x134: {  	s13 =	simm.s32 $0x180;
	s21 =	simm.s32 $0x500;
	s3 =	simm.s32 $0x0;
	v7 =	vld [tilespmem:s11+$0x3030];
	v19 =	vand.u32 $0x80, v16;
	v16 =	vand.u32 $0x1, v13;
	v13 =	vand.u32 $0x1, v25  }
0x135: {  	s11 =	simm.s32 $0x300;
	s14 =	simm.s32 $0x0;
	s23 =	simm.s32 $0x400;
	v25 =	vadd.s32 v3, v28;
	v17 =	vand.u32 $0x80, v29;
	[tilespmem:v8+s20+$0x0] =	vst.idx.msk $0xffff, v26;
	v8 =	vld [tilespmem:s2+$0x3040];
	v26 =	vadd.s32 v3, v30  }
.LBB2_28:
0x136: {  	s4 =	sand.u32 $0x3FFFFC00, s21;
	s2 =	sand.u32 $0x3FFFFC00, s11;
	v15 =	vand.u32 $0x5E, v15;
	v22 =	vadd.s32 v3, v22;
	v23 =	vadd.s32 v3, v23;
	s5 =	smov.u32 s3  }
0x137: {  	s6 =	sshra.s32 s13, $0x2;
	v10 =	vand.u32 $0x7E, v10;
	v11 =	vand.u32 $0x5E, v11;
	v12 =	vand.u32 $0x7E, v12;
	s5 =	sand.u32 $0x3FFFFC00, s22;
	s2 =	sadd.s32 s8, s2  }
0x138: {  	s15 =	sand.u32 $0x3FFFFC00, s23;
	v20 =	vor.u32 v25, v20;
	v21 =	vor.u32 v26, v21;
	v9 =	vand.u32 $0x5E, v9;
	s14 =	sadd.s32 $0xFFFFFF80, s14;
	s6 =	sadd.s32 s6, s2;
	v27 =	vld [tilespmem:s12+$0x3000]  }
0x139: {  	v18 =	vor.u32 v24, v18;
	s9 =	sadd.s32 $0x300, s9;
	s16 =	sadd.s32 s14, s7;
	v19 =	vor.u32 v22, v19;
	v17 =	vor.u32 v23, v17;
	s2 =	sadd.s32 $0x60, s3;
	v25 =	vld [tilespmem:s6+$0x9000]  }
0x13a: {  	s18 =	sand.u32 $0x3FFFFC00, s9;
	v4 =	vor.u32 v4, v15;
	v5 =	vor.u32 v5, v10;
	v10 =	vor.u32 v16, v11;
	s16 =	sshra.s32 s16, $0x2;
	p0 =	slt.u32 s2, s3;
	v22 =	vld [tilespmem:s6+$0x9010]  }
0x13b: {  	v12 =	vor.u32 v14, v12;
	v9 =	vor.u32 v13, v9;
	v4 =	vor.u32 v4, v20;
	s3 =	sadd.s32 s16, s18;
	s4 =	sadd.s32 s16, s4;
	s5 =	sadd.s32 s16, s5;
	v11 =	vld [tilespmem:s12+$0x3010]  }
0x13c: {  	v5 =	vor.u32 v5, v21;
	v10 =	vor.u32 v10, v18;
	v12 =	vor.u32 v12, v19;
	s15 =	sadd.s32 s16, s15;
	s12 =	smov.u32 s6;
	v13 =	vld [tilespmem:s3+$0x9050]  }
0x13d: {  	v15 =	vor.u32 v2, v4;
	v16 =	vor.u32 v2, v5;
	v4 =	vor.u32 v9, v17;
	v14 =	vld [tilespmem:s15+$0x9020]  }
0x13e: {  	s10 =	sadd.s32 $0xC0, s10;
	v9 =	vor.u32 v2, v10;
	v10 =	vor.u32 v2, v12;
	v12 =	vor.u32 v2, v4;
	v24 =	vld [tilespmem:s5+$0x9030]  }
0x13f: {  	s16 =	sadd.s32 $0xFFFFFF80, s10;
	s18 =	sadd.s32 $0xFFFFFFA0, s10;
	v17 =	vmov s10;
	s6 =	sadd.s32 $0xFFFFFF60, s10;
	v4 =	vand.u32 $0x1, v25;
	v5 =	vand.u32 $0x1, v22;
	v26 =	vld [tilespmem:s4+$0x9040]  }
0x140: {  	s19 =	sadd.s32 $0xFFFFFFE0, s10;
	v20 =	vor.u32 s10, v1;
	v17 =	vshll.u32 v17, $0x3;
	v18 =	vmov s6;
	v19 =	vld [tilespmem:s15+$0x3020];
	s15 =	sadd.s32 $0xFFFFFFC0, s10  }
0x141: {  	v17 =	vand.u32 $0x1C00, v17;
	v21 =	vld [tilespmem:s5+$0x3030];
	v23 =	vsub.s32 v13, v20;
	v20 =	vand.u32 $0x7E, v20  }
0x142: {  	v17 =	vadd.s32 v3, v17;
	v13 =	vand.u32 $0x1, v13;
	v28 =	vld [tilespmem:s4+$0x3040];
	v23 =	vand.u32 $0x80, v23;
	[tilespmem:v15+s20+$0x0] =	vst.idx.msk $0xffff, v27  }
0x143: {  	v15 =	vmov s16;
	v13 =	vor.u32 v13, v20;
	v17 =	vor.u32 v17, v23;
	[tilespmem:v16+s20+$0x0] =	vst.idx.msk $0xffff, v11  }
0x144: {  	v11 =	vmov s18;
	v16 =	vmov s15;
	v13 =	vor.u32 v13, v17;
	[tilespmem:v9+s20+$0x0] =	vst.idx.msk $0xffff, v6  }
0x145: {  	v17 =	vshll.u32 v18, $0x3;
	v9 =	vmov s19;
	v18 =	vld [tilespmem:s3+$0x3050];
	v13 =	vor.u32 v2, v13;
	[tilespmem:v10+s20+$0x0] =	vst.idx.msk $0xffff, v7;
	v6 =	vmovc v19  }
0x146: {  	v20 =	vshll.u32 v11, $0x3;
	v16 =	vshll.u32 v16, $0x3;
	v19 =	vshll.u32 v15, $0x3;
	[tilespmem:v12+s20+$0x0] =	vst.idx.msk $0xffff, v8;
	v7 =	vmovc v21  }
0x147: {  	v15 =	vor.u32 s6, v1;
	v10 =	vor.u32 s16, v1;
	v23 =	vshll.u32 v9, $0x3;
	v8 =	vmovc v28  }
0x148: {  	v11 =	vor.u32 s18, v1;
	v9 =	vor.u32 s19, v1;
	v12 =	vor.u32 s15, v1  }
0x149: {  	v27 =	vsub.s32 v14, v11;
	v21 =	vsub.s32 v25, v15;
	v25 =	vsub.s32 v22, v10  }
0x14a: {  	v29 =	vsub.s32 v26, v9;
	v28 =	vand.u32 $0xC00, v17;
	v17 =	vsub.s32 v24, v12;
	[tilespmem:v13+s20+$0x0] =	vst.idx.msk $0xffff, v18  }
.Ltmp16:
0x14b: {  	v31 =	vand.u32 $0x1C00, v20;
	v30 =	vand.u32 $0xC00, v19;
	v22 =	vand.u32 $0x1C00, v16;
	(pc) =	sbr.rel @p0 .LBB2_28-.Ltmp16, $4  }
0x14c: {  	v23 =	vand.u32 $0x1C00, v23;
	v20 =	vand.u32 $0x80, v21;
	v21 =	vand.u32 $0x80, v25  }
0x14d: {  	v19 =	vand.u32 $0x80, v17;
	v17 =	vand.u32 $0x80, v29;
	v18 =	vand.u32 $0x80, v27  }
0x14e: {  	s11 =	sadd.s32 $0x300, s11;
	s21 =	sadd.s32 $0x300, s21;
	s23 =	sadd.s32 $0x300, s23;
	v16 =	vand.u32 $0x1, v14;
	v14 =	vand.u32 $0x1, v24;
	v13 =	vand.u32 $0x1, v26  }
0x14f: {  	s13 =	sadd.s32 $0x180, s13;
	s22 =	sadd.s32 $0x300, s22;
	s3 =	smov.u32 s2;
	v24 =	vadd.s32 v3, v31;
	v25 =	vadd.s32 v3, v28;
	v26 =	vadd.s32 v3, v30  }
.LBB2_29:
0x150: {  	v15 =	vand.u32 $0x5E, v15;
	v22 =	vadd.s32 v3, v22;
	v3 =	vadd.s32 v3, v23  }
0x151: {  	v10 =	vand.u32 $0x7E, v10;
	v11 =	vand.u32 $0x5E, v11;
	v12 =	vand.u32 $0x7E, v12  }
0x152: {  	v20 =	vor.u32 v25, v20;
	v21 =	vor.u32 v26, v21;
	v9 =	vand.u32 $0x5E, v9  }
0x153: {  	v18 =	vor.u32 v24, v18;
	v19 =	vor.u32 v22, v19;
	v4 =	vor.u32 v4, v15  }
0x154: {  	v3 =	vor.u32 v3, v17;
	v5 =	vor.u32 v5, v10;
	v4 =	vor.u32 v4, v20  }
0x155: {  	v61 =	vld [tilespmem:s12+$0x3000];
	v11 =	vor.u32 v16, v11;
	v5 =	vor.u32 v5, v21;
	v4 =	vor.u32 v2, v4  }
0x156: {  	v62 =	vld [tilespmem:s12+$0x3010];
	v12 =	vor.u32 v14, v12;
	v11 =	vor.u32 v11, v18;
	v5 =	vor.u32 v2, v5  }
0x157: {  	v9 =	vor.u32 v13, v9;
	v12 =	vor.u32 v12, v19;
	v11 =	vor.u32 v2, v11  }
0x158: {  	s0 =	sadd.s32 $0x1, s0;
	v3 =	vor.u32 v9, v3;
	v63 =	vor.u32 v2, v12  }
0x159: {  	p0 =	sne.s32 s0, $0x30;
	v2 =	vor.u32 v2, v3  }
.Ltmp17:
0x15a: {  	[tilespmem:v4+s20+$0x0] =	vst.idx.msk $0xffff, v61;
	(pc) =	sbr.rel @p0 .LBB2_27-.Ltmp17, $4  }
0x15b: {  	[tilespmem:v5+s20+$0x0] =	vst.idx.msk $0xffff, v62  }
0x15c: {  	[tilespmem:v11+s20+$0x0] =	vst.idx.msk $0xffff, v6  }
0x15d: {  	[tilespmem:v63+s20+$0x0] =	vst.idx.msk $0xffff, v7  }
0x15e: {  	s1 =	sadd.s32 $0x1, s1;
	s30 =	sadd.s32 $0x100, s30;
	[tilespmem:v2+s20+$0x0] =	vst.idx.msk $0xffff, v8  }
0x15f: {  	s0 =	rddreg [dreg:$0xa]  }
0x160: {  	s0 =	smul.u32 $0x24000, s0;
	_ =	sdelay $0x1  }
.Ltmp18:
0x161: {  	s0 =	sadd.s32 s0, s28;
	(pc) =	sbr.rel @p1 .LBB2_32-.Ltmp18, $4  }
0x162: {  	s0 =	sshrl.u32 s0, $0x3  }
0x163: {  	s0 =	sadd.s32 s26, s0  }
0x164: {  	s6 =	simm.s32 $0x0;
	s0 =	sadd.s32 $0x1200, s0  }
0x165: {  	[hbm4b:s0+s6] =	stream.linear.scatter [tilespmem:s20], [sflag:$0x6], $0x9000, $0x38;
	[tilespmem:$0x1E000] =	vst v63  }
0x166: {  	s0 =	sadd.s32 $0x3, s25  }
0x167: {  	s1 =	sadd.s32 s31, s0;
	s0 =	sand.u32 $0x3, s0  }
0x168: {  	s1 =	sshrl.u32 s1, $0x2;
	s0 =	smul.u32 $0x3000, s0  }
0x169: {  	s1 =	smul.u32 $0xC000, s1;
	_ =	sdelay $0x1  }
0x16a: {  	s0 =	sadd.s32 s0, s1  }
.Ltmp19:
0x16b: {  	s28 =	rddreg [dreg:$0x0];
	s0 =	sshrl.u32 s0, $0x3;
	(pc) =	sbr.rel .LBB2_2-.Ltmp19, $4  }
0x16c: {  	s2 =	simm.s32 $0x3000;
	s29 =	rddreg [dreg:$0x1];
	s1 =	sadd.s32 s28, s0  }
0x16d: {  	[tilespmem:s2], [sflag:$0x2] =	stream.linear.gather [hbm4b:s1+s6], $0x3000, $0x38;
	[tilespmem:$0x1E000] =	vst v63  }
0x16e: {  	s30 =	simm.s32 $0x9000;
	s24 =	sadd.s32 $0x1, s24;
	s0 =	sadd.s32 s29, s0  }
0x16f: {  	[tilespmem:s30], [sflag:$0x4] =	stream.linear.gather [hbm4b:s0+s6], $0x3000, $0x38;
	[tilespmem:$0x1E000] =	vst v63  }
.LBB2_33:
0x170: {  	_ =	sfence.sel $0x180000  }
0x171: {  	[bflag:$0x0] =	sbarrier.arrive $0xFFFF  }
0x172: {  	_ =	strace $0x90000047  }
0x173: {  	s0 =	stileid.u32;
	[bflag:$0x2] =	sbarrier.arrive $0xFFFF  }
0x174: {  	p0 =	sne.s32 s0, $0x0;
	s0 =	rddreg [dreg:$0x3]  }
0x175: {  	s0 =	sadd.s32 @!p0 $0x100000, s0  }
0x176: {  	[sflag:s0] =	ssyncadd.tile.s32 @!p0 $0x1;
	_ =	shalt  }
.Lfunc_end2:
_tile_overlayer_lowered:
.L_overlay_start_2:
0x177: {  	(tag) =	ssettag $0x2  }
0x178: {  	s0 =	rddreg [dreg:$0x0];
	s2 =	stileid.u32  }
0x179: {  	s1 =	rddreg [dreg:$0x1];
	p0 =	sne.s32 s2, $0x0  }
0x17a: {  	s3 =	rddreg [dreg:$0x2];
	[bflag:$0x3] =	sbarrier.arrive $0xFFFF;
	s2 =	simm.s32 @!p0 $0x1C07  }
0x17b: {  	[timem:s3], [sflag:s2] =	dma.local @!p0 [hbm:s0], s1  }
0x17c: {  	s0 =	simm.s32 @!p0 $0x7  }
0x17d: {  	_ =	swait.ge @!p0 [sflag:s0], s1  }
0x17e: {  	s1 =	ssub.s32 @!p0 $0x0, s1;
	[sflag:s0] =	ssyncset.done @!p0 $0x0  }
0x17f: {  	[sflag:s0] =	ssyncadd.s32 @!p0 s1  }
0x180: {  	[bflag:$0x3] =	sbarrier.arrive $0xFFFF  }
0x181: {  	_ =	shalt  }

</sc_bundles>
